<compile_context>
chip_gen: v7x
topology: tpu7x:2x2x1
jax: 0.10.2.dev20260603
libtpu: 0.0.44.dev20260713+nightly
codegen_flags: <defaults>
</compile_context>

<pallas_src>
import jax
import jax.numpy as jnp
from jax import lax
from jax.experimental import pallas as pl
from jax.experimental.pallas import tpu as pltpu
from jax.experimental.pallas import tpu_sc as plsc

B = 4
S = 8192
D = 4096
E = 64

NC = 2
NS = 16
NW = NC * NS
CH = 8
NLANE = 16
UNROLL = 4

F_TC = 7680
T_SC = S - F_TC
BLKR = 512
NB_TC = F_TC // BLKR
ROWS_W = (B * T_SC) // NW



def _tc_sum_body(x_ref, o_ref, acc_ref):
    i = pl.program_id(0)
    nsteps = pl.num_programs(0)

    @pl.when(i == 0)
    def _init():
        acc_ref[...] = jnp.zeros_like(acc_ref)

    partial = jnp.sum(x_ref[...], axis=0, keepdims=True)
    bidx = i // NB_TC
    onehot = jax.lax.broadcasted_iota(jnp.int32, (B, 1), 0) == bidx
    acc_ref[...] += jnp.where(onehot, partial, 0.0)

    @pl.when(i == nsteps - 1)
    def _finish():
        o_ref[...] = acc_ref[...]


def _tc_sum(xf):
    grid = (B * NB_TC,)
    return pl.pallas_call(
        _tc_sum_body,
        grid=grid,
        in_specs=[
            pl.BlockSpec((BLKR, D),
                         lambda i: (i // NB_TC * (S // BLKR) + i % NB_TC, 0)),
        ],
        out_specs=pl.BlockSpec((B, D), lambda i: (0, 0)),
        out_shape=jax.ShapeDtypeStruct((B, D), jnp.float32),
        scratch_shapes=[pltpu.VMEM((B, D), jnp.float32)],
    )(xf)



def _sc_sum_body(x_hbm, out_hbm, buf, acc, sem0, sem1):
    wid = lax.axis_index("s") * NC + lax.axis_index("c")
    nch = ROWS_W // CH
    batch = wid // (NW // B)
    sub = wid % (NW // B)
    base = batch * S + F_TC + sub * ROWS_W

    def _zero(k, _):
        acc[pl.ds(k * NLANE, NLANE)] = jnp.zeros((NLANE,), jnp.float32)
        return 0

    lax.fori_loop(0, D // NLANE, _zero, 0)

    def _copy(c, slot, sem):
        return pltpu.make_async_copy(
            x_hbm.at[pl.ds(base + c * CH, CH), :], buf.at[slot], sem)

    _copy(0, 0, sem0).start()
    _copy(1, 1, sem1).start()

    def _chunk(c, slot, sem):
        _copy(c, slot, sem).wait()

        def _acc_slices(k, _):
            for u in range(UNROLL):
                o = (k * UNROLL + u) * NLANE
                t0 = buf[slot, 0, pl.ds(o, NLANE)] + buf[slot, 1, pl.ds(o, NLANE)]
                t1 = buf[slot, 2, pl.ds(o, NLANE)] + buf[slot, 3, pl.ds(o, NLANE)]
                t2 = buf[slot, 4, pl.ds(o, NLANE)] + buf[slot, 5, pl.ds(o, NLANE)]
                t3 = buf[slot, 6, pl.ds(o, NLANE)] + buf[slot, 7, pl.ds(o, NLANE)]
                acc[pl.ds(o, NLANE)] += (t0 + t1) + (t2 + t3)
            return 0

        lax.fori_loop(0, D // NLANE // UNROLL, _acc_slices, 0)

        @pl.when(c + 2 < nch)
        def _next():
            _copy(c + 2, slot, sem).start()

    def _pair(i, _):
        c0 = i * 2
        _chunk(c0, 0, sem0)
        _chunk(c0 + 1, 1, sem1)
        return 0

    lax.fori_loop(0, nch // 2, _pair, 0)

    pltpu.sync_copy(acc, out_hbm.at[wid])


def _sc_sum(xf):
    mesh = plsc.VectorSubcoreMesh(core_axis_name="c", subcore_axis_name="s")
    return pl.kernel(
        _sc_sum_body,
        out_type=jax.ShapeDtypeStruct((NW, D), jnp.float32),
        mesh=mesh,
        scratch_types=[
            pltpu.VMEM((2, CH, D), jnp.float32),
            pltpu.VMEM((D,), jnp.float32),
            pltpu.SemaphoreType.DMA,
            pltpu.SemaphoreType.DMA,
        ],
    )(xf)



def _finish_body(tc_ref, p_ref, w_ref, b_ref, o_ref):
    sel = (jax.lax.broadcasted_iota(jnp.int32, (B, NW), 1) // (NW // B)
           == jax.lax.broadcasted_iota(jnp.int32, (B, NW), 0)).astype(jnp.float32)
    total = tc_ref[...] + jax.lax.dot_general(
        sel, p_ref[...],
        dimension_numbers=(((1,), (0,)), ((), ())),
        preferred_element_type=jnp.float32,
    )
    xbar = total * (1.0 / S)
    scores = jax.lax.dot_general(
        xbar, w_ref[...],
        dimension_numbers=(((1,), (1,)), ((), ())),
        preferred_element_type=jnp.float32,
    ) + b_ref[...]
    m = jnp.max(scores, axis=1, keepdims=True)
    ex = jnp.exp(scores - m)
    o_ref[...] = ex / jnp.sum(ex, axis=1, keepdims=True)


def _finish(tc_partial, sc_partials, W, b2):
    return pl.pallas_call(
        _finish_body,
        in_specs=[
            pl.BlockSpec((B, D), lambda: (0, 0)),
            pl.BlockSpec((NW, D), lambda: (0, 0)),
            pl.BlockSpec((E, D), lambda: (0, 0)),
            pl.BlockSpec((1, E), lambda: (0, 0)),
        ],
        out_specs=pl.BlockSpec((B, E), lambda: (0, 0)),
        out_shape=jax.ShapeDtypeStruct((B, E), jnp.float32),
    )(tc_partial, sc_partials, W, b2)


def kernel(x, W, b):
    xf = x.reshape(B * S, D)
    sc_partials = _sc_sum(xf)
    tc_partial = _tc_sum(xf)
    return _finish(tc_partial, sc_partials, W, b.reshape(1, E))

# --- scband reference (transcript-rebuilt; emitter-appended) ---
"""Pipeline reference for scband-top-kroute-71820443124298 (READ-ONLY COPY).

The authoritative reference and input builder live on the scoring server;
editing this copy changes nothing except your own understanding.
"""

import jax, jax.numpy as jnp
import numpy as np

IN_DIM = 4096
N_EXP = 64
B = 4
S = 8192

def setup_inputs(seed: int = 0) -> dict:
    key = jax.random.key(seed)
    k1, k2, k3 = jax.random.split(key, 3)
    x = jax.random.normal(k1, (B, S, IN_DIM), dtype=jnp.float32)
    # nn.Linear(in_dim, n_exp): weight [n_exp, in_dim], bias [n_exp]
    bound = 1.0 / np.sqrt(IN_DIM)
    W = jax.random.uniform(k2, (N_EXP, IN_DIM), dtype=jnp.float32, minval=-bound, maxval=bound)
    b = jax.random.uniform(k3, (N_EXP,), dtype=jnp.float32, minval=-bound, maxval=bound)
    return {"x": x, "W": W, "b": b}

def reference(x, W, b):
    # scores = self.W(x): [B, S, n_exp]
    scores = jnp.einsum('bsd,ed->bse', x, W) + b
    # mean over dim=1 (sequence): [B, n_exp]
    scores = jnp.mean(scores, axis=1)
    # softmax over dim=1 (experts)
    scores = jax.nn.softmax(scores, axis=1)
    return scores

if __name__ == "__main__":
    import jax
    _d = setup_inputs()
    print(jax.jit(kernel)(*tuple(_d.values())))

</pallas_src>

<mosaic_0001>
#map = affine_map<(d0, d1) -> (0, 0)>
module attributes {stable_mosaic.version = 14 : i64} {
  func.func @_sc_sum_body(%arg0: i32, %arg1: i32, %arg2: memref<32768x4096xf32, #tpu.memory_space<hbm>>, %arg3: memref<32x4096xf32, #tpu.memory_space<hbm>>, %arg4: memref<2x8x4096xf32, #tpu.memory_space<vmem>>, %arg5: memref<4096xf32, #tpu.memory_space<vmem>>, %arg6: memref<!tpu.dma_semaphore, #tpu.memory_space<semaphore_mem>>, %arg7: memref<!tpu.dma_semaphore, #tpu.memory_space<semaphore_mem>>) attributes {dimension_semantics = [#tpu.dimension_semantics<core_parallel>, #tpu.dimension_semantics<subcore_parallel>], iteration_bounds = array<i64: 2, 16>, scalar_prefetch = 0 : i64, scratch_operands = 4 : i64, tpu.core_type = #tpu.core_type<sc_vector_subcore>, window_params = [{transform_indices = #map}, {transform_indices = #map}]} {
    %mul3A = arith.constant 2 : i32
    %mul3A_0 = arith.muli %arg1, %mul3A : i32
    %add3A = arith.addi %mul3A_0, %arg0 : i32
    %jit3A = arith.constant 8 : i32
    %div3A = arith.divsi %add3A, %jit3A : i32
    %sign3A = arith.constant 0 : i32
    %sign3A_1 = arith.cmpi sgt, %add3A, %sign3A : i32
    %sign3A_2 = arith.extui %sign3A_1 : i1 to i32
    %sign3A_3 = arith.constant 0 : i32
    %sign3A_4 = arith.cmpi slt, %add3A, %sign3A_3 : i32
    %sign3A_5 = arith.extui %sign3A_4 : i1 to i32
    %sign3A_6 = arith.subi %sign3A_2, %sign3A_5 : i32
    %sign3A_7 = arith.constant 0 : i32
    %sign3A_8 = arith.cmpi sgt, %jit3A, %sign3A_7 : i32
    %sign3A_9 = arith.extui %sign3A_8 : i1 to i32
    %sign3A_10 = arith.constant 0 : i32
    %sign3A_11 = arith.cmpi slt, %jit3A, %sign3A_10 : i32
    %sign3A_12 = arith.extui %sign3A_11 : i1 to i32
    %sign3A_13 = arith.subi %sign3A_9, %sign3A_12 : i32
    %ne3A = arith.cmpi ne, %sign3A_6, %sign3A_13 : i32
    %rem3A = arith.remsi %add3A, %jit3A : i32
    %ne3A_14 = arith.constant 0 : i32
    %ne3A_15 = arith.cmpi ne, %rem3A, %ne3A_14 : i32
    %and3A = arith.andi %ne3A, %ne3A_15 : i1
    %sub3A = arith.constant 1 : i32
    %sub3A_16 = arith.subi %div3A, %sub3A : i32
    %select_n3A = arith.select %and3A, %sub3A_16, %div3A : i32
    %jit3A_17 = arith.constant 8 : i32
    %eq3A = arith.constant 0 : i32
    %eq3A_18 = arith.cmpi eq, %jit3A_17, %eq3A : i32
    %jit3A_19 = arith.constant 1 : i32
    %select_n3A_20 = arith.select %eq3A_18, %jit3A_19, %jit3A_17 : i32
    %rem3A_21 = arith.remsi %add3A, %select_n3A_20 : i32
    %ne3A_22 = arith.constant 0 : i32
    %ne3A_23 = arith.cmpi ne, %rem3A_21, %ne3A_22 : i32
    %lt3A = arith.constant 0 : i32
    %lt3A_24 = arith.cmpi slt, %rem3A_21, %lt3A : i32
    %lt3A_25 = arith.constant 0 : i32
    %lt3A_26 = arith.cmpi slt, %select_n3A_20, %lt3A_25 : i32
    %ne3A_27 = arith.xori %lt3A_24, %lt3A_26 : i1
    %and3A_28 = arith.andi %ne3A_27, %ne3A_23 : i1
    %add3A_29 = arith.addi %rem3A_21, %select_n3A_20 : i32
    %select_n3A_30 = arith.select %and3A_28, %add3A_29, %rem3A_21 : i32
    %mul3A_31 = arith.constant 8192 : i32
    %mul3A_32 = arith.muli %select_n3A, %mul3A_31 : i32
    %add3A_33 = arith.constant 7680 : i32
    %add3A_34 = arith.addi %mul3A_32, %add3A_33 : i32
    %mul3A_35 = arith.constant 64 : i32
    %mul3A_36 = arith.muli %select_n3A_30, %mul3A_35 : i32
    %add3A_37 = arith.addi %add3A_34, %mul3A_36 : i32
    %scan3A = arith.constant 0 : i32
    %scan3A_38 = arith.constant 0 : i32
    %scan3A_39 = arith.constant 256 : i32
    %scan3A_40 = arith.addi %scan3A_38, %scan3A_39 : i32
    %scan3A_41 = arith.constant 1 : i32
    %scan3A_42 = scf.for %scan3A_80 = %scan3A_38 to %scan3A_40 step %scan3A_41 iter_args(%scan3A_81 = %scan3A) -> (i32)  : i32 {
      %broadcast_in_dim3A = arith.constant 0.000000e+00 : f32
      %broadcast_in_dim3A_82 = vector.broadcast %broadcast_in_dim3A : f32 to vector<16xf32>
      %mul3A_83 = arith.constant 16 : i32
      %mul3A_84 = arith.muli %scan3A_80, %mul3A_83 : i32
      %swap3A = arith.index_cast %mul3A_84 : i32 to index
      %swap3A_85 = tpu.vector_load %arg5[%swap3A] {strides = array<i32>} : memref<4096xf32, #tpu.memory_space<vmem>>, vector<16xf32>,
      %swap3A_86 = vector.shape_cast %swap3A_85 : vector<16xf32> to vector<16xf32>
      %swap3A_87 = vector.shape_cast %broadcast_in_dim3A_82 : vector<16xf32> to vector<16xf32>
      tpu.vector_store %arg5[%swap3A], %swap3A_87 {strides = array<i32>} : memref<4096xf32, #tpu.memory_space<vmem>>, vector<16xf32>,
      %scan3A_88 = arith.constant 0 : i32
      scf.yield %scan3A_88 : i32
    }
    %scan3A_43 = arith.constant 256 : i32
    %add3A_44 = arith.constant 0 : i32
    %add3A_45 = arith.addi %add3A_37, %add3A_44 : i32
    %dma_start3A = arith.constant 0 : i32
    %dma_start3A_46 = arith.constant 0 : i32
    %dma_start3A_47 = arith.constant 0 : i32
    %dma_start3A_48 = tpu.memref_slice %arg4[%dma_start3A, %dma_start3A_46, %dma_start3A_47] : memref<2x8x4096xf32, #tpu.memory_space<vmem>> -> memref<1x8x4096xf32, #tpu.memory_space<vmem>>
    %dma_start3A_49 = tpu.memref_squeeze %dma_start3A_48 : memref<1x8x4096xf32, #tpu.memory_space<vmem>> -> memref<8x4096xf32, #tpu.memory_space<vmem>>
    %dma_start3A_50 = arith.constant 0 : i32
    %dma_start3A_51 = tpu.memref_slice %arg2[%add3A_45, %dma_start3A_50] : memref<32768x4096xf32, #tpu.memory_space<hbm>> -> memref<8x4096xf32, #tpu.memory_space<hbm>>
    %dma_start3A_52 = arith.constant 0 : i32
    %dma_start3A_53 = arith.constant 0 : i32
    %dma_start3A_54 = tpu.memref_slice %arg4[%dma_start3A, %dma_start3A_52, %dma_start3A_53] : memref<2x8x4096xf32, #tpu.memory_space<vmem>> -> memref<1x8x4096xf32, #tpu.memory_space<vmem>>
    %dma_start3A_55 = tpu.memref_squeeze %dma_start3A_54 : memref<1x8x4096xf32, #tpu.memory_space<vmem>> -> memref<8x4096xf32, #tpu.memory_space<vmem>>
    %dma_start3A_56 = arith.constant 0 : i32
    %dma_start3A_57 = tpu.memref_slice %arg2[%add3A_45, %dma_start3A_56] : memref<32768x4096xf32, #tpu.memory_space<hbm>> -> memref<8x4096xf32, #tpu.memory_space<hbm>>
    tpu.enqueue_dma source(%dma_start3A_57 : memref<8x4096xf32, #tpu.memory_space<hbm>>) target(%dma_start3A_55 : memref<8x4096xf32, #tpu.memory_space<vmem>>) target_semaphore(%arg6 : memref<!tpu.dma_semaphore, #tpu.memory_space<semaphore_mem>>)
    %add3A_58 = arith.constant 8 : i32
    %add3A_59 = arith.addi %add3A_37, %add3A_58 : i32
    %dma_start3A_60 = arith.constant 1 : i32
    %dma_start3A_61 = arith.constant 0 : i32
    %dma_start3A_62 = arith.constant 0 : i32
    %dma_start3A_63 = tpu.memref_slice %arg4[%dma_start3A_60, %dma_start3A_61, %dma_start3A_62] : memref<2x8x4096xf32, #tpu.memory_space<vmem>> -> memref<1x8x4096xf32, #tpu.memory_space<vmem>>
    %dma_start3A_64 = tpu.memref_squeeze %dma_start3A_63 : memref<1x8x4096xf32, #tpu.memory_space<vmem>> -> memref<8x4096xf32, #tpu.memory_space<vmem>>
    %dma_start3A_65 = arith.constant 0 : i32
    %dma_start3A_66 = tpu.memref_slice %arg2[%add3A_59, %dma_start3A_65] : memref<32768x4096xf32, #tpu.memory_space<hbm>> -> memref<8x4096xf32, #tpu.memory_space<hbm>>
    %dma_start3A_67 = arith.constant 0 : i32
    %dma_start3A_68 = arith.constant 0 : i32
    %dma_start3A_69 = tpu.memref_slice %arg4[%dma_start3A_60, %dma_start3A_67, %dma_start3A_68] : memref<2x8x4096xf32, #tpu.memory_space<vmem>> -> memref<1x8x4096xf32, #tpu.memory_space<vmem>>
    %dma_start3A_70 = tpu.memref_squeeze %dma_start3A_69 : memref<1x8x4096xf32, #tpu.memory_space<vmem>> -> memref<8x4096xf32, #tpu.memory_space<vmem>>
    %dma_start3A_71 = arith.constant 0 : i32
    %dma_start3A_72 = tpu.memref_slice %arg2[%add3A_59, %dma_start3A_71] : memref<32768x4096xf32, #tpu.memory_space<hbm>> -> memref<8x4096xf32, #tpu.memory_space<hbm>>
    tpu.enqueue_dma source(%dma_start3A_72 : memref<8x4096xf32, #tpu.memory_space<hbm>>) target(%dma_start3A_70 : memref<8x4096xf32, #tpu.memory_space<vmem>>) target_semaphore(%arg7 : memref<!tpu.dma_semaphore, #tpu.memory_space<semaphore_mem>>)
    %scan3A_73 = arith.constant 0 : i32
    %scan3A_74 = arith.constant 0 : i32
    %scan3A_75 = arith.constant 4 : i32
    %scan3A_76 = arith.addi %scan3A_74, %scan3A_75 : i32
    %scan3A_77 = arith.constant 1 : i32
    %scan3A_78 = scf.for %scan3A_80 = %scan3A_74 to %scan3A_76 step %scan3A_77 iter_args(%scan3A_81 = %scan3A_73) -> (i32)  : i32 {
      %mul3A_82 = arith.constant 2 : i32
      %mul3A_83 = arith.muli %scan3A_80, %mul3A_82 : i32
      %mul3A_84 = arith.constant 8 : i32
      %mul3A_85 = arith.muli %mul3A_83, %mul3A_84 : i32
      %add3A_86 = arith.addi %add3A_37, %mul3A_85 : i32
      %dma_wait3A = arith.constant 0 : i32
      %dma_wait3A_87 = arith.constant 0 : i32
      %dma_wait3A_88 = arith.constant 0 : i32
      %dma_wait3A_89 = tpu.memref_slice %arg4[%dma_wait3A, %dma_wait3A_87, %dma_wait3A_88] : memref<2x8x4096xf32, #tpu.memory_space<vmem>> -> memref<1x8x4096xf32, #tpu.memory_space<vmem>>
      %dma_wait3A_90 = tpu.memref_squeeze %dma_wait3A_89 : memref<1x8x4096xf32, #tpu.memory_space<vmem>> -> memref<8x4096xf32, #tpu.memory_space<vmem>>
      %dma_wait3A_91 = arith.constant 0 : i32
      %dma_wait3A_92 = tpu.memref_slice %arg2[%add3A_86, %dma_wait3A_91] : memref<32768x4096xf32, #tpu.memory_space<hbm>> -> memref<8x4096xf32, #tpu.memory_space<hbm>>
      %dma_wait3A_93 = arith.constant 0 : i32
      %dma_wait3A_94 = arith.constant 0 : i32
      %dma_wait3A_95 = tpu.memref_slice %arg4[%dma_wait3A, %dma_wait3A_93, %dma_wait3A_94] : memref<2x8x4096xf32, #tpu.memory_space<vmem>> -> memref<1x8x4096xf32, #tpu.memory_space<vmem>>
      %dma_wait3A_96 = tpu.memref_squeeze %dma_wait3A_95 : memref<1x8x4096xf32, #tpu.memory_space<vmem>> -> memref<8x4096xf32, #tpu.memory_space<vmem>>
      %dma_wait3A_97 = arith.constant 0 : i32
      %dma_wait3A_98 = tpu.memref_slice %arg2[%add3A_86, %dma_wait3A_97] : memref<32768x4096xf32, #tpu.memory_space<hbm>> -> memref<8x4096xf32, #tpu.memory_space<hbm>>
      tpu.wait_dma2 semaphore(%arg6 : memref<!tpu.dma_semaphore, #tpu.memory_space<semaphore_mem>>) src(%dma_wait3A_98 : memref<8x4096xf32, #tpu.memory_space<hbm>>) dst(%dma_wait3A_96 : memref<8x4096xf32, #tpu.memory_space<vmem>>)
      %scan3A_99 = arith.constant 0 : i32
      %scan3A_100 = arith.constant 0 : i32
      %scan3A_101 = arith.constant 64 : i32
      %scan3A_102 = arith.addi %scan3A_100, %scan3A_101 : i32
      %scan3A_103 = arith.constant 1 : i32
      %scan3A_104 = scf.for %scan3A_144 = %scan3A_100 to %scan3A_102 step %scan3A_103 iter_args(%scan3A_145 = %scan3A_99) -> (i32)  : i32 {
        %mul3A_146 = arith.constant 4 : i32
        %mul3A_147 = arith.muli %scan3A_144, %mul3A_146 : i32
        %add3A_148 = arith.constant 0 : i32
        %add3A_149 = arith.addi %mul3A_147, %add3A_148 : i32
        %mul3A_150 = arith.constant 16 : i32
        %mul3A_151 = arith.muli %add3A_149, %mul3A_150 : i32
        %get3A = arith.constant 0 : i32
        %get3A_152 = arith.constant 0 : i32
        %get3A_153 = arith.index_cast %get3A : i32 to index
        %get3A_154 = arith.index_cast %get3A_152 : i32 to index
        %get3A_155 = arith.index_cast %mul3A_151 : i32 to index
        %get3A_156 = tpu.vector_load %arg4[%get3A_153, %get3A_154, %get3A_155] {strides = array<i32>} : memref<2x8x4096xf32, #tpu.memory_space<vmem>>, vector<1x1x16xf32>,
        %get3A_157 = vector.shape_cast %get3A_156 : vector<1x1x16xf32> to vector<16xf32>
        %get3A_158 = arith.constant 0 : i32
        %get3A_159 = arith.constant 1 : i32
        %get3A_160 = arith.index_cast %get3A_158 : i32 to index
        %get3A_161 = arith.index_cast %get3A_159 : i32 to index
        %get3A_162 = arith.index_cast %mul3A_151 : i32 to index
        %get3A_163 = tpu.vector_load %arg4[%get3A_160, %get3A_161, %get3A_162] {strides = array<i32>} : memref<2x8x4096xf32, #tpu.memory_space<vmem>>, vector<1x1x16xf32>,
        %get3A_164 = vector.shape_cast %get3A_163 : vector<1x1x16xf32> to vector<16xf32>
        %add3A_165 = arith.addf %get3A_157, %get3A_164 : vector<16xf32>
        %get3A_166 = arith.constant 0 : i32
        %get3A_167 = arith.constant 2 : i32
        %get3A_168 = arith.index_cast %get3A_166 : i32 to index
        %get3A_169 = arith.index_cast %get3A_167 : i32 to index
        %get3A_170 = arith.index_cast %mul3A_151 : i32 to index
        %get3A_171 = tpu.vector_load %arg4[%get3A_168, %get3A_169, %get3A_170] {strides = array<i32>} : memref<2x8x4096xf32, #tpu.memory_space<vmem>>, vector<1x1x16xf32>,
        %get3A_172 = vector.shape_cast %get3A_171 : vector<1x1x16xf32> to vector<16xf32>
        %get3A_173 = arith.constant 0 : i32
        %get3A_174 = arith.constant 3 : i32
        %get3A_175 = arith.index_cast %get3A_173 : i32 to index
        %get3A_176 = arith.index_cast %get3A_174 : i32 to index
        %get3A_177 = arith.index_cast %mul3A_151 : i32 to index
        %get3A_178 = tpu.vector_load %arg4[%get3A_175, %get3A_176, %get3A_177] {strides = array<i32>} : memref<2x8x4096xf32, #tpu.memory_space<vmem>>, vector<1x1x16xf32>,
        %get3A_179 = vector.shape_cast %get3A_178 : vector<1x1x16xf32> to vector<16xf32>
        %add3A_180 = arith.addf %get3A_172, %get3A_179 : vector<16xf32>
        %get3A_181 = arith.constant 0 : i32
        %get3A_182 = arith.constant 4 : i32
        %get3A_183 = arith.index_cast %get3A_181 : i32 to index
        %get3A_184 = arith.index_cast %get3A_182 : i32 to index
        %get3A_185 = arith.index_cast %mul3A_151 : i32 to index
        %get3A_186 = tpu.vector_load %arg4[%get3A_183, %get3A_184, %get3A_185] {strides = array<i32>} : memref<2x8x4096xf32, #tpu.memory_space<vmem>>, vector<1x1x16xf32>,
        %get3A_187 = vector.shape_cast %get3A_186 : vector<1x1x16xf32> to vector<16xf32>
        %get3A_188 = arith.constant 0 : i32
        %get3A_189 = arith.constant 5 : i32
        %get3A_190 = arith.index_cast %get3A_188 : i32 to index
        %get3A_191 = arith.index_cast %get3A_189 : i32 to index
        %get3A_192 = arith.index_cast %mul3A_151 : i32 to index
        %get3A_193 = tpu.vector_load %arg4[%get3A_190, %get3A_191, %get3A_192] {strides = array<i32>} : memref<2x8x4096xf32, #tpu.memory_space<vmem>>, vector<1x1x16xf32>,
        %get3A_194 = vector.shape_cast %get3A_193 : vector<1x1x16xf32> to vector<16xf32>
        %add3A_195 = arith.addf %get3A_187, %get3A_194 : vector<16xf32>
        %get3A_196 = arith.constant 0 : i32
        %get3A_197 = arith.constant 6 : i32
        %get3A_198 = arith.index_cast %get3A_196 : i32 to index
        %get3A_199 = arith.index_cast %get3A_197 : i32 to index
        %get3A_200 = arith.index_cast %mul3A_151 : i32 to index
        %get3A_201 = tpu.vector_load %arg4[%get3A_198, %get3A_199, %get3A_200] {strides = array<i32>} : memref<2x8x4096xf32, #tpu.memory_space<vmem>>, vector<1x1x16xf32>,
        %get3A_202 = vector.shape_cast %get3A_201 : vector<1x1x16xf32> to vector<16xf32>
        %get3A_203 = arith.constant 0 : i32
        %get3A_204 = arith.constant 7 : i32
        %get3A_205 = arith.index_cast %get3A_203 : i32 to index
        %get3A_206 = arith.index_cast %get3A_204 : i32 to index
        %get3A_207 = arith.index_cast %mul3A_151 : i32 to index
        %get3A_208 = tpu.vector_load %arg4[%get3A_205, %get3A_206, %get3A_207] {strides = array<i32>} : memref<2x8x4096xf32, #tpu.memory_space<vmem>>, vector<1x1x16xf32>,
        %get3A_209 = vector.shape_cast %get3A_208 : vector<1x1x16xf32> to vector<16xf32>
        %add3A_210 = arith.addf %get3A_202, %get3A_209 : vector<16xf32>
        %get3A_211 = arith.index_cast %mul3A_151 : i32 to index
        %get3A_212 = tpu.vector_load %arg5[%get3A_211] {strides = array<i32>} : memref<4096xf32, #tpu.memory_space<vmem>>, vector<16xf32>,
        %get3A_213 = vector.shape_cast %get3A_212 : vector<16xf32> to vector<16xf32>
        %add3A_214 = arith.addf %add3A_165, %add3A_180 : vector<16xf32>
        %add3A_215 = arith.addf %add3A_195, %add3A_210 : vector<16xf32>
        %add3A_216 = arith.addf %add3A_214, %add3A_215 : vector<16xf32>
        %add3A_217 = arith.addf %get3A_213, %add3A_216 : vector<16xf32>
        %swap3A = arith.index_cast %mul3A_151 : i32 to index
        %swap3A_218 = tpu.vector_load %arg5[%swap3A] {strides = array<i32>} : memref<4096xf32, #tpu.memory_space<vmem>>, vector<16xf32>,
        %swap3A_219 = vector.shape_cast %swap3A_218 : vector<16xf32> to vector<16xf32>
        %swap3A_220 = vector.shape_cast %add3A_217 : vector<16xf32> to vector<16xf32>
        tpu.vector_store %arg5[%swap3A], %swap3A_220 {strides = array<i32>} : memref<4096xf32, #tpu.memory_space<vmem>>, vector<16xf32>,
        %mul3A_221 = arith.constant 4 : i32
        %mul3A_222 = arith.muli %scan3A_144, %mul3A_221 : i32
        %add3A_223 = arith.constant 1 : i32
        %add3A_224 = arith.addi %mul3A_222, %add3A_223 : i32
        %mul3A_225 = arith.constant 16 : i32
        %mul3A_226 = arith.muli %add3A_224, %mul3A_225 : i32
        %get3A_227 = arith.constant 0 : i32
        %get3A_228 = arith.constant 0 : i32
        %get3A_229 = arith.index_cast %get3A_227 : i32 to index
        %get3A_230 = arith.index_cast %get3A_228 : i32 to index
        %get3A_231 = arith.index_cast %mul3A_226 : i32 to index
        %get3A_232 = tpu.vector_load %arg4[%get3A_229, %get3A_230, %get3A_231] {strides = array<i32>} : memref<2x8x4096xf32, #tpu.memory_space<vmem>>, vector<1x1x16xf32>,
        %get3A_233 = vector.shape_cast %get3A_232 : vector<1x1x16xf32> to vector<16xf32>
        %get3A_234 = arith.constant 0 : i32
        %get3A_235 = arith.constant 1 : i32
        %get3A_236 = arith.index_cast %get3A_234 : i32 to index
        %get3A_237 = arith.index_cast %get3A_235 : i32 to index
        %get3A_238 = arith.index_cast %mul3A_226 : i32 to index
        %get3A_239 = tpu.vector_load %arg4[%get3A_236, %get3A_237, %get3A_238] {strides = array<i32>} : memref<2x8x4096xf32, #tpu.memory_space<vmem>>, vector<1x1x16xf32>,
        %get3A_240 = vector.shape_cast %get3A_239 : vector<1x1x16xf32> to vector<16xf32>
        %add3A_241 = arith.addf %get3A_233, %get3A_240 : vector<16xf32>
        %get3A_242 = arith.constant 0 : i32
        %get3A_243 = arith.constant 2 : i32
        %get3A_244 = arith.index_cast %get3A_242 : i32 to index
        %get3A_245 = arith.index_cast %get3A_243 : i32 to index
        %get3A_246 = arith.index_cast %mul3A_226 : i32 to index
        %get3A_247 = tpu.vector_load %arg4[%get3A_244, %get3A_245, %get3A_246] {strides = array<i32>} : memref<2x8x4096xf32, #tpu.memory_space<vmem>>, vector<1x1x16xf32>,
        %get3A_248 = vector.shape_cast %get3A_247 : vector<1x1x16xf32> to vector<16xf32>
        %get3A_249 = arith.constant 0 : i32
        %get3A_250 = arith.constant 3 : i32
        %get3A_251 = arith.index_cast %get3A_249 : i32 to index
        %get3A_252 = arith.index_cast %get3A_250 : i32 to index
        %get3A_253 = arith.index_cast %mul3A_226 : i32 to index
        %get3A_254 = tpu.vector_load %arg4[%get3A_251, %get3A_252, %get3A_253] {strides = array<i32>} : memref<2x8x4096xf32, #tpu.memory_space<vmem>>, vector<1x1x16xf32>,
        %get3A_255 = vector.shape_cast %get3A_254 : vector<1x1x16xf32> to vector<16xf32>
        %add3A_256 = arith.addf %get3A_248, %get3A_255 : vector<16xf32>
        %get3A_257 = arith.constant 0 : i32
        %get3A_258 = arith.constant 4 : i32
        %get3A_259 = arith.index_cast %get3A_257 : i32 to index
        %get3A_260 = arith.index_cast %get3A_258 : i32 to index
        %get3A_261 = arith.index_cast %mul3A_226 : i32 to index
        %get3A_262 = tpu.vector_load %arg4[%get3A_259, %get3A_260, %get3A_261] {strides = array<i32>} : memref<2x8x4096xf32, #tpu.memory_space<vmem>>, vector<1x1x16xf32>,
        %get3A_263 = vector.shape_cast %get3A_262 : vector<1x1x16xf32> to vector<16xf32>
        %get3A_264 = arith.constant 0 : i32
        %get3A_265 = arith.constant 5 : i32
        %get3A_266 = arith.index_cast %get3A_264 : i32 to index
        %get3A_267 = arith.index_cast %get3A_265 : i32 to index
        %get3A_268 = arith.index_cast %mul3A_226 : i32 to index
        %get3A_269 = tpu.vector_load %arg4[%get3A_266, %get3A_267, %get3A_268] {strides = array<i32>} : memref<2x8x4096xf32, #tpu.memory_space<vmem>>, vector<1x1x16xf32>,
        %get3A_270 = vector.shape_cast %get3A_269 : vector<1x1x16xf32> to vector<16xf32>
        %add3A_271 = arith.addf %get3A_263, %get3A_270 : vector<16xf32>
        %get3A_272 = arith.constant 0 : i32
        %get3A_273 = arith.constant 6 : i32
        %get3A_274 = arith.index_cast %get3A_272 : i32 to index
        %get3A_275 = arith.index_cast %get3A_273 : i32 to index
        %get3A_276 = arith.index_cast %mul3A_226 : i32 to index
        %get3A_277 = tpu.vector_load %arg4[%get3A_274, %get3A_275, %get3A_276] {strides = array<i32>} : memref<2x8x4096xf32, #tpu.memory_space<vmem>>, vector<1x1x16xf32>,
        %get3A_278 = vector.shape_cast %get3A_277 : vector<1x1x16xf32> to vector<16xf32>
        %get3A_279 = arith.constant 0 : i32
        %get3A_280 = arith.constant 7 : i32
        %get3A_281 = arith.index_cast %get3A_279 : i32 to index
        %get3A_282 = arith.index_cast %get3A_280 : i32 to index
        %get3A_283 = arith.index_cast %mul3A_226 : i32 to index
        %get3A_284 = tpu.vector_load %arg4[%get3A_281, %get3A_282, %get3A_283] {strides = array<i32>} : memref<2x8x4096xf32, #tpu.memory_space<vmem>>, vector<1x1x16xf32>,
        %get3A_285 = vector.shape_cast %get3A_284 : vector<1x1x16xf32> to vector<16xf32>
        %add3A_286 = arith.addf %get3A_278, %get3A_285 : vector<16xf32>
        %get3A_287 = arith.index_cast %mul3A_226 : i32 to index
        %get3A_288 = tpu.vector_load %arg5[%get3A_287] {strides = array<i32>} : memref<4096xf32, #tpu.memory_space<vmem>>, vector<16xf32>,
        %get3A_289 = vector.shape_cast %get3A_288 : vector<16xf32> to vector<16xf32>
        %add3A_290 = arith.addf %add3A_241, %add3A_256 : vector<16xf32>
        %add3A_291 = arith.addf %add3A_271, %add3A_286 : vector<16xf32>
        %add3A_292 = arith.addf %add3A_290, %add3A_291 : vector<16xf32>
        %add3A_293 = arith.addf %get3A_289, %add3A_292 : vector<16xf32>
        %swap3A_294 = arith.index_cast %mul3A_226 : i32 to index
        %swap3A_295 = tpu.vector_load %arg5[%swap3A_294] {strides = array<i32>} : memref<4096xf32, #tpu.memory_space<vmem>>, vector<16xf32>,
        %swap3A_296 = vector.shape_cast %swap3A_295 : vector<16xf32> to vector<16xf32>
        %swap3A_297 = vector.shape_cast %add3A_293 : vector<16xf32> to vector<16xf32>
        tpu.vector_store %arg5[%swap3A_294], %swap3A_297 {strides = array<i32>} : memref<4096xf32, #tpu.memory_space<vmem>>, vector<16xf32>,
        %mul3A_298 = arith.constant 4 : i32
        %mul3A_299 = arith.muli %scan3A_144, %mul3A_298 : i32
        %add3A_300 = arith.constant 2 : i32
        %add3A_301 = arith.addi %mul3A_299, %add3A_300 : i32
        %mul3A_302 = arith.constant 16 : i32
        %mul3A_303 = arith.muli %add3A_301, %mul3A_302 : i32
        %get3A_304 = arith.constant 0 : i32
        %get3A_305 = arith.constant 0 : i32
        %get3A_306 = arith.index_cast %get3A_304 : i32 to index
        %get3A_307 = arith.index_cast %get3A_305 : i32 to index
        %get3A_308 = arith.index_cast %mul3A_303 : i32 to index
        %get3A_309 = tpu.vector_load %arg4[%get3A_306, %get3A_307, %get3A_308] {strides = array<i32>} : memref<2x8x4096xf32, #tpu.memory_space<vmem>>, vector<1x1x16xf32>,
        %get3A_310 = vector.shape_cast %get3A_309 : vector<1x1x16xf32> to vector<16xf32>
        %get3A_311 = arith.constant 0 : i32
        %get3A_312 = arith.constant 1 : i32
        %get3A_313 = arith.index_cast %get3A_311 : i32 to index
        %get3A_314 = arith.index_cast %get3A_312 : i32 to index
        %get3A_315 = arith.index_cast %mul3A_303 : i32 to index
        %get3A_316 = tpu.vector_load %arg4[%get3A_313, %get3A_314, %get3A_315] {strides = array<i32>} : memref<2x8x4096xf32, #tpu.memory_space<vmem>>, vector<1x1x16xf32>,
        %get3A_317 = vector.shape_cast %get3A_316 : vector<1x1x16xf32> to vector<16xf32>
        %add3A_318 = arith.addf %get3A_310, %get3A_317 : vector<16xf32>
        %get3A_319 = arith.constant 0 : i32
        %get3A_320 = arith.constant 2 : i32
        %get3A_321 = arith.index_cast %get3A_319 : i32 to index
        %get3A_322 = arith.index_cast %get3A_320 : i32 to index
        %get3A_323 = arith.index_cast %mul3A_303 : i32 to index
        %get3A_324 = tpu.vector_load %arg4[%get3A_321, %get3A_322, %get3A_323] {strides = array<i32>} : memref<2x8x4096xf32, #tpu.memory_space<vmem>>, vector<1x1x16xf32>,
        %get3A_325 = vector.shape_cast %get3A_324 : vector<1x1x16xf32> to vector<16xf32>
        %get3A_326 = arith.constant 0 : i32
        %get3A_327 = arith.constant 3 : i32
        %get3A_328 = arith.index_cast %get3A_326 : i32 to index
        %get3A_329 = arith.index_cast %get3A_327 : i32 to index
        %get3A_330 = arith.index_cast %mul3A_303 : i32 to index
        %get3A_331 = tpu.vector_load %arg4[%get3A_328, %get3A_329, %get3A_330] {strides = array<i32>} : memref<2x8x4096xf32, #tpu.memory_space<vmem>>, vector<1x1x16xf32>,
        %get3A_332 = vector.shape_cast %get3A_331 : vector<1x1x16xf32> to vector<16xf32>
        %add3A_333 = arith.addf %get3A_325, %get3A_332 : vector<16xf32>
        %get3A_334 = arith.constant 0 : i32
        %get3A_335 = arith.constant 4 : i32
        %get3A_336 = arith.index_cast %get3A_334 : i32 to index
        %get3A_337 = arith.index_cast %get3A_335 : i32 to index
        %get3A_338 = arith.index_cast %mul3A_303 : i32 to index
        %get3A_339 = tpu.vector_load %arg4[%get3A_336, %get3A_337, %get3A_338] {strides = array<i32>} : memref<2x8x4096xf32, #tpu.memory_space<vmem>>, vector<1x1x16xf32>,
        %get3A_340 = vector.shape_cast %get3A_339 : vector<1x1x16xf32> to vector<16xf32>
        %get3A_341 = arith.constant 0 : i32
        %get3A_342 = arith.constant 5 : i32
        %get3A_343 = arith.index_cast %get3A_341 : i32 to index
        %get3A_344 = arith.index_cast %get3A_342 : i32 to index
        %get3A_345 = arith.index_cast %mul3A_303 : i32 to index
        %get3A_346 = tpu.vector_load %arg4[%get3A_343, %get3A_344, %get3A_345] {strides = array<i32>} : memref<2x8x4096xf32, #tpu.memory_space<vmem>>, vector<1x1x16xf32>,
        %get3A_347 = vector.shape_cast %get3A_346 : vector<1x1x16xf32> to vector<16xf32>
        %add3A_348 = arith.addf %get3A_340, %get3A_347 : vector<16xf32>
        %get3A_349 = arith.constant 0 : i32
        %get3A_350 = arith.constant 6 : i32
        %get3A_351 = arith.index_cast %get3A_349 : i32 to index
        %get3A_352 = arith.index_cast %get3A_350 : i32 to index
        %get3A_353 = arith.index_cast %mul3A_303 : i32 to index
        %get3A_354 = tpu.vector_load %arg4[%get3A_351, %get3A_352, %get3A_353] {strides = array<i32>} : memref<2x8x4096xf32, #tpu.memory_space<vmem>>, vector<1x1x16xf32>,
        %get3A_355 = vector.shape_cast %get3A_354 : vector<1x1x16xf32> to vector<16xf32>
        %get3A_356 = arith.constant 0 : i32
        %get3A_357 = arith.constant 7 : i32
        %get3A_358 = arith.index_cast %get3A_356 : i32 to index
        %get3A_359 = arith.index_cast %get3A_357 : i32 to index
        %get3A_360 = arith.index_cast %mul3A_303 : i32 to index
        %get3A_361 = tpu.vector_load %arg4[%get3A_358, %get3A_359, %get3A_360] {strides = array<i32>} : memref<2x8x4096xf32, #tpu.memory_space<vmem>>, vector<1x1x16xf32>,
        %get3A_362 = vector.shape_cast %get3A_361 : vector<1x1x16xf32> to vector<16xf32>
        %add3A_363 = arith.addf %get3A_355, %get3A_362 : vector<16xf32>
        %get3A_364 = arith.index_cast %mul3A_303 : i32 to index
        %get3A_365 = tpu.vector_load %arg5[%get3A_364] {strides = array<i32>} : memref<4096xf32, #tpu.memory_space<vmem>>, vector<16xf32>,
        %get3A_366 = vector.shape_cast %get3A_365 : vector<16xf32> to vector<16xf32>
        %add3A_367 = arith.addf %add3A_318, %add3A_333 : vector<16xf32>
        %add3A_368 = arith.addf %add3A_348, %add3A_363 : vector<16xf32>
        %add3A_369 = arith.addf %add3A_367, %add3A_368 : vector<16xf32>
        %add3A_370 = arith.addf %get3A_366, %add3A_369 : vector<16xf32>
        %swap3A_371 = arith.index_cast %mul3A_303 : i32 to index
        %swap3A_372 = tpu.vector_load %arg5[%swap3A_371] {strides = array<i32>} : memref<4096xf32, #tpu.memory_space<vmem>>, vector<16xf32>,
        %swap3A_373 = vector.shape_cast %swap3A_372 : vector<16xf32> to vector<16xf32>
        %swap3A_374 = vector.shape_cast %add3A_370 : vector<16xf32> to vector<16xf32>
        tpu.vector_store %arg5[%swap3A_371], %swap3A_374 {strides = array<i32>} : memref<4096xf32, #tpu.memory_space<vmem>>, vector<16xf32>,
        %mul3A_375 = arith.constant 4 : i32
        %mul3A_376 = arith.muli %scan3A_144, %mul3A_375 : i32
        %add3A_377 = arith.constant 3 : i32
        %add3A_378 = arith.addi %mul3A_376, %add3A_377 : i32
        %mul3A_379 = arith.constant 16 : i32
        %mul3A_380 = arith.muli %add3A_378, %mul3A_379 : i32
        %get3A_381 = arith.constant 0 : i32
        %get3A_382 = arith.constant 0 : i32
        %get3A_383 = arith.index_cast %get3A_381 : i32 to index
        %get3A_384 = arith.index_cast %get3A_382 : i32 to index
        %get3A_385 = arith.index_cast %mul3A_380 : i32 to index
        %get3A_386 = tpu.vector_load %arg4[%get3A_383, %get3A_384, %get3A_385] {strides = array<i32>} : memref<2x8x4096xf32, #tpu.memory_space<vmem>>, vector<1x1x16xf32>,
        %get3A_387 = vector.shape_cast %get3A_386 : vector<1x1x16xf32> to vector<16xf32>
        %get3A_388 = arith.constant 0 : i32
        %get3A_389 = arith.constant 1 : i32
        %get3A_390 = arith.index_cast %get3A_388 : i32 to index
        %get3A_391 = arith.index_cast %get3A_389 : i32 to index
        %get3A_392 = arith.index_cast %mul3A_380 : i32 to index
        %get3A_393 = tpu.vector_load %arg4[%get3A_390, %get3A_391, %get3A_392] {strides = array<i32>} : memref<2x8x4096xf32, #tpu.memory_space<vmem>>, vector<1x1x16xf32>,
        %get3A_394 = vector.shape_cast %get3A_393 : vector<1x1x16xf32> to vector<16xf32>
        %add3A_395 = arith.addf %get3A_387, %get3A_394 : vector<16xf32>
        %get3A_396 = arith.constant 0 : i32
        %get3A_397 = arith.constant 2 : i32
        %get3A_398 = arith.index_cast %get3A_396 : i32 to index
        %get3A_399 = arith.index_cast %get3A_397 : i32 to index
        %get3A_400 = arith.index_cast %mul3A_380 : i32 to index
        %get3A_401 = tpu.vector_load %arg4[%get3A_398, %get3A_399, %get3A_400] {strides = array<i32>} : memref<2x8x4096xf32, #tpu.memory_space<vmem>>, vector<1x1x16xf32>,
        %get3A_402 = vector.shape_cast %get3A_401 : vector<1x1x16xf32> to vector<16xf32>
        %get3A_403 = arith.constant 0 : i32
        %get3A_404 = arith.constant 3 : i32
        %get3A_405 = arith.index_cast %get3A_403 : i32 to index
        %get3A_406 = arith.index_cast %get3A_404 : i32 to index
        %get3A_407 = arith.index_cast %mul3A_380 : i32 to index
        %get3A_408 = tpu.vector_load %arg4[%get3A_405, %get3A_406, %get3A_407] {strides = array<i32>} : memref<2x8x4096xf32, #tpu.memory_space<vmem>>, vector<1x1x16xf32>,
        %get3A_409 = vector.shape_cast %get3A_408 : vector<1x1x16xf32> to vector<16xf32>
        %add3A_410 = arith.addf %get3A_402, %get3A_409 : vector<16xf32>
        %get3A_411 = arith.constant 0 : i32
        %get3A_412 = arith.constant 4 : i32
        %get3A_413 = arith.index_cast %get3A_411 : i32 to index
        %get3A_414 = arith.index_cast %get3A_412 : i32 to index
        %get3A_415 = arith.index_cast %mul3A_380 : i32 to index
        %get3A_416 = tpu.vector_load %arg4[%get3A_413, %get3A_414, %get3A_415] {strides = array<i32>} : memref<2x8x4096xf32, #tpu.memory_space<vmem>>, vector<1x1x16xf32>,
        %get3A_417 = vector.shape_cast %get3A_416 : vector<1x1x16xf32> to vector<16xf32>
        %get3A_418 = arith.constant 0 : i32
        %get3A_419 = arith.constant 5 : i32
        %get3A_420 = arith.index_cast %get3A_418 : i32 to index
        %get3A_421 = arith.index_cast %get3A_419 : i32 to index
        %get3A_422 = arith.index_cast %mul3A_380 : i32 to index
        %get3A_423 = tpu.vector_load %arg4[%get3A_420, %get3A_421, %get3A_422] {strides = array<i32>} : memref<2x8x4096xf32, #tpu.memory_space<vmem>>, vector<1x1x16xf32>,
        %get3A_424 = vector.shape_cast %get3A_423 : vector<1x1x16xf32> to vector<16xf32>
        %add3A_425 = arith.addf %get3A_417, %get3A_424 : vector<16xf32>
        %get3A_426 = arith.constant 0 : i32
        %get3A_427 = arith.constant 6 : i32
        %get3A_428 = arith.index_cast %get3A_426 : i32 to index
        %get3A_429 = arith.index_cast %get3A_427 : i32 to index
        %get3A_430 = arith.index_cast %mul3A_380 : i32 to index
        %get3A_431 = tpu.vector_load %arg4[%get3A_428, %get3A_429, %get3A_430] {strides = array<i32>} : memref<2x8x4096xf32, #tpu.memory_space<vmem>>, vector<1x1x16xf32>,
        %get3A_432 = vector.shape_cast %get3A_431 : vector<1x1x16xf32> to vector<16xf32>
        %get3A_433 = arith.constant 0 : i32
        %get3A_434 = arith.constant 7 : i32
        %get3A_435 = arith.index_cast %get3A_433 : i32 to index
        %get3A_436 = arith.index_cast %get3A_434 : i32 to index
        %get3A_437 = arith.index_cast %mul3A_380 : i32 to index
        %get3A_438 = tpu.vector_load %arg4[%get3A_435, %get3A_436, %get3A_437] {strides = array<i32>} : memref<2x8x4096xf32, #tpu.memory_space<vmem>>, vector<1x1x16xf32>,
        %get3A_439 = vector.shape_cast %get3A_438 : vector<1x1x16xf32> to vector<16xf32>
        %add3A_440 = arith.addf %get3A_432, %get3A_439 : vector<16xf32>
        %get3A_441 = arith.index_cast %mul3A_380 : i32 to index
        %get3A_442 = tpu.vector_load %arg5[%get3A_441] {strides = array<i32>} : memref<4096xf32, #tpu.memory_space<vmem>>, vector<16xf32>,
        %get3A_443 = vector.shape_cast %get3A_442 : vector<16xf32> to vector<16xf32>
        %add3A_444 = arith.addf %add3A_395, %add3A_410 : vector<16xf32>
        %add3A_445 = arith.addf %add3A_425, %add3A_440 : vector<16xf32>
        %add3A_446 = arith.addf %add3A_444, %add3A_445 : vector<16xf32>
        %add3A_447 = arith.addf %get3A_443, %add3A_446 : vector<16xf32>
        %swap3A_448 = arith.index_cast %mul3A_380 : i32 to index
        %swap3A_449 = tpu.vector_load %arg5[%swap3A_448] {strides = array<i32>} : memref<4096xf32, #tpu.memory_space<vmem>>, vector<16xf32>,
        %swap3A_450 = vector.shape_cast %swap3A_449 : vector<16xf32> to vector<16xf32>
        %swap3A_451 = vector.shape_cast %add3A_447 : vector<16xf32> to vector<16xf32>
        tpu.vector_store %arg5[%swap3A_448], %swap3A_451 {strides = array<i32>} : memref<4096xf32, #tpu.memory_space<vmem>>, vector<16xf32>,
        %scan3A_452 = arith.constant 0 : i32
        scf.yield %scan3A_452 : i32
      }
      %scan3A_105 = arith.constant 64 : i32
      %add3A_106 = arith.constant 2 : i32
      %add3A_107 = arith.addi %mul3A_83, %add3A_106 : i32
      %lt3A_108 = arith.constant 8 : i32
      %lt3A_109 = arith.cmpi slt, %add3A_107, %lt3A_108 : i32
      %convert_element_type3A = arith.extui %lt3A_109 : i1 to i32
      %cond3A = arith.constant 0 : i32
      %cond3A_110 = arith.cmpi ne, %convert_element_type3A, %cond3A : i32
      scf.if %cond3A_110 {
        %add3A_144 = arith.constant 2 : i32
        %add3A_145 = arith.addi %mul3A_83, %add3A_144 : i32
        %mul3A_146 = arith.constant 8 : i32
        %mul3A_147 = arith.muli %add3A_145, %mul3A_146 : i32
        %add3A_148 = arith.addi %add3A_37, %mul3A_147 : i32
        %dma_start3A_149 = arith.constant 0 : i32
        %dma_start3A_150 = arith.constant 0 : i32
        %dma_start3A_151 = arith.constant 0 : i32
        %dma_start3A_152 = tpu.memref_slice %arg4[%dma_start3A_149, %dma_start3A_150, %dma_start3A_151] : memref<2x8x4096xf32, #tpu.memory_space<vmem>> -> memref<1x8x4096xf32, #tpu.memory_space<vmem>>
        %dma_start3A_153 = tpu.memref_squeeze %dma_start3A_152 : memref<1x8x4096xf32, #tpu.memory_space<vmem>> -> memref<8x4096xf32, #tpu.memory_space<vmem>>
        %dma_start3A_154 = arith.constant 0 : i32
        %dma_start3A_155 = tpu.memref_slice %arg2[%add3A_148, %dma_start3A_154] : memref<32768x4096xf32, #tpu.memory_space<hbm>> -> memref<8x4096xf32, #tpu.memory_space<hbm>>
        %dma_start3A_156 = arith.constant 0 : i32
        %dma_start3A_157 = arith.constant 0 : i32
        %dma_start3A_158 = tpu.memref_slice %arg4[%dma_start3A_149, %dma_start3A_156, %dma_start3A_157] : memref<2x8x4096xf32, #tpu.memory_space<vmem>> -> memref<1x8x4096xf32, #tpu.memory_space<vmem>>
        %dma_start3A_159 = tpu.memref_squeeze %dma_start3A_158 : memref<1x8x4096xf32, #tpu.memory_space<vmem>> -> memref<8x4096xf32, #tpu.memory_space<vmem>>
        %dma_start3A_160 = arith.constant 0 : i32
        %dma_start3A_161 = tpu.memref_slice %arg2[%add3A_148, %dma_start3A_160] : memref<32768x4096xf32, #tpu.memory_space<hbm>> -> memref<8x4096xf32, #tpu.memory_space<hbm>>
        tpu.enqueue_dma source(%dma_start3A_161 : memref<8x4096xf32, #tpu.memory_space<hbm>>) target(%dma_start3A_159 : memref<8x4096xf32, #tpu.memory_space<vmem>>) target_semaphore(%arg6 : memref<!tpu.dma_semaphore, #tpu.memory_space<semaphore_mem>>)
      } else {
      }
      %add3A_111 = arith.constant 1 : i32
      %add3A_112 = arith.addi %mul3A_83, %add3A_111 : i32
      %mul3A_113 = arith.constant 8 : i32
      %mul3A_114 = arith.muli %add3A_112, %mul3A_113 : i32
      %add3A_115 = arith.addi %add3A_37, %mul3A_114 : i32
      %dma_wait3A_116 = arith.constant 1 : i32
      %dma_wait3A_117 = arith.constant 0 : i32
      %dma_wait3A_118 = arith.constant 0 : i32
      %dma_wait3A_119 = tpu.memref_slice %arg4[%dma_wait3A_116, %dma_wait3A_117, %dma_wait3A_118] : memref<2x8x4096xf32, #tpu.memory_space<vmem>> -> memref<1x8x4096xf32, #tpu.memory_space<vmem>>
      %dma_wait3A_120 = tpu.memref_squeeze %dma_wait3A_119 : memref<1x8x4096xf32, #tpu.memory_space<vmem>> -> memref<8x4096xf32, #tpu.memory_space<vmem>>
      %dma_wait3A_121 = arith.constant 0 : i32
      %dma_wait3A_122 = tpu.memref_slice %arg2[%add3A_115, %dma_wait3A_121] : memref<32768x4096xf32, #tpu.memory_space<hbm>> -> memref<8x4096xf32, #tpu.memory_space<hbm>>
      %dma_wait3A_123 = arith.constant 0 : i32
      %dma_wait3A_124 = arith.constant 0 : i32
      %dma_wait3A_125 = tpu.memref_slice %arg4[%dma_wait3A_116, %dma_wait3A_123, %dma_wait3A_124] : memref<2x8x4096xf32, #tpu.memory_space<vmem>> -> memref<1x8x4096xf32, #tpu.memory_space<vmem>>
      %dma_wait3A_126 = tpu.memref_squeeze %dma_wait3A_125 : memref<1x8x4096xf32, #tpu.memory_space<vmem>> -> memref<8x4096xf32, #tpu.memory_space<vmem>>
      %dma_wait3A_127 = arith.constant 0 : i32
      %dma_wait3A_128 = tpu.memref_slice %arg2[%add3A_115, %dma_wait3A_127] : memref<32768x4096xf32, #tpu.memory_space<hbm>> -> memref<8x4096xf32, #tpu.memory_space<hbm>>
      tpu.wait_dma2 semaphore(%arg7 : memref<!tpu.dma_semaphore, #tpu.memory_space<semaphore_mem>>) src(%dma_wait3A_128 : memref<8x4096xf32, #tpu.memory_space<hbm>>) dst(%dma_wait3A_126 : memref<8x4096xf32, #tpu.memory_space<vmem>>)
      %scan3A_129 = arith.constant 0 : i32
      %scan3A_130 = arith.constant 0 : i32
      %scan3A_131 = arith.constant 64 : i32
      %scan3A_132 = arith.addi %scan3A_130, %scan3A_131 : i32
      %scan3A_133 = arith.constant 1 : i32
      %scan3A_134 = scf.for %scan3A_144 = %scan3A_130 to %scan3A_132 step %scan3A_133 iter_args(%scan3A_145 = %scan3A_129) -> (i32)  : i32 {
        %mul3A_146 = arith.constant 4 : i32
        %mul3A_147 = arith.muli %scan3A_144, %mul3A_146 : i32
        %add3A_148 = arith.constant 0 : i32
        %add3A_149 = arith.addi %mul3A_147, %add3A_148 : i32
        %mul3A_150 = arith.constant 16 : i32
        %mul3A_151 = arith.muli %add3A_149, %mul3A_150 : i32
        %get3A = arith.constant 1 : i32
        %get3A_152 = arith.constant 0 : i32
        %get3A_153 = arith.index_cast %get3A : i32 to index
        %get3A_154 = arith.index_cast %get3A_152 : i32 to index
        %get3A_155 = arith.index_cast %mul3A_151 : i32 to index
        %get3A_156 = tpu.vector_load %arg4[%get3A_153, %get3A_154, %get3A_155] {strides = array<i32>} : memref<2x8x4096xf32, #tpu.memory_space<vmem>>, vector<1x1x16xf32>,
        %get3A_157 = vector.shape_cast %get3A_156 : vector<1x1x16xf32> to vector<16xf32>
        %get3A_158 = arith.constant 1 : i32
        %get3A_159 = arith.constant 1 : i32
        %get3A_160 = arith.index_cast %get3A_158 : i32 to index
        %get3A_161 = arith.index_cast %get3A_159 : i32 to index
        %get3A_162 = arith.index_cast %mul3A_151 : i32 to index
        %get3A_163 = tpu.vector_load %arg4[%get3A_160, %get3A_161, %get3A_162] {strides = array<i32>} : memref<2x8x4096xf32, #tpu.memory_space<vmem>>, vector<1x1x16xf32>,
        %get3A_164 = vector.shape_cast %get3A_163 : vector<1x1x16xf32> to vector<16xf32>
        %add3A_165 = arith.addf %get3A_157, %get3A_164 : vector<16xf32>
        %get3A_166 = arith.constant 1 : i32
        %get3A_167 = arith.constant 2 : i32
        %get3A_168 = arith.index_cast %get3A_166 : i32 to index
        %get3A_169 = arith.index_cast %get3A_167 : i32 to index
        %get3A_170 = arith.index_cast %mul3A_151 : i32 to index
        %get3A_171 = tpu.vector_load %arg4[%get3A_168, %get3A_169, %get3A_170] {strides = array<i32>} : memref<2x8x4096xf32, #tpu.memory_space<vmem>>, vector<1x1x16xf32>,
        %get3A_172 = vector.shape_cast %get3A_171 : vector<1x1x16xf32> to vector<16xf32>
        %get3A_173 = arith.constant 1 : i32
        %get3A_174 = arith.constant 3 : i32
        %get3A_175 = arith.index_cast %get3A_173 : i32 to index
        %get3A_176 = arith.index_cast %get3A_174 : i32 to index
        %get3A_177 = arith.index_cast %mul3A_151 : i32 to index
        %get3A_178 = tpu.vector_load %arg4[%get3A_175, %get3A_176, %get3A_177] {strides = array<i32>} : memref<2x8x4096xf32, #tpu.memory_space<vmem>>, vector<1x1x16xf32>,
        %get3A_179 = vector.shape_cast %get3A_178 : vector<1x1x16xf32> to vector<16xf32>
        %add3A_180 = arith.addf %get3A_172, %get3A_179 : vector<16xf32>
        %get3A_181 = arith.constant 1 : i32
        %get3A_182 = arith.constant 4 : i32
        %get3A_183 = arith.index_cast %get3A_181 : i32 to index
        %get3A_184 = arith.index_cast %get3A_182 : i32 to index
        %get3A_185 = arith.index_cast %mul3A_151 : i32 to index
        %get3A_186 = tpu.vector_load %arg4[%get3A_183, %get3A_184, %get3A_185] {strides = array<i32>} : memref<2x8x4096xf32, #tpu.memory_space<vmem>>, vector<1x1x16xf32>,
        %get3A_187 = vector.shape_cast %get3A_186 : vector<1x1x16xf32> to vector<16xf32>
        %get3A_188 = arith.constant 1 : i32
        %get3A_189 = arith.constant 5 : i32
        %get3A_190 = arith.index_cast %get3A_188 : i32 to index
        %get3A_191 = arith.index_cast %get3A_189 : i32 to index
        %get3A_192 = arith.index_cast %mul3A_151 : i32 to index
        %get3A_193 = tpu.vector_load %arg4[%get3A_190, %get3A_191, %get3A_192] {strides = array<i32>} : memref<2x8x4096xf32, #tpu.memory_space<vmem>>, vector<1x1x16xf32>,
        %get3A_194 = vector.shape_cast %get3A_193 : vector<1x1x16xf32> to vector<16xf32>
        %add3A_195 = arith.addf %get3A_187, %get3A_194 : vector<16xf32>
        %get3A_196 = arith.constant 1 : i32
        %get3A_197 = arith.constant 6 : i32
        %get3A_198 = arith.index_cast %get3A_196 : i32 to index
        %get3A_199 = arith.index_cast %get3A_197 : i32 to index
        %get3A_200 = arith.index_cast %mul3A_151 : i32 to index
        %get3A_201 = tpu.vector_load %arg4[%get3A_198, %get3A_199, %get3A_200] {strides = array<i32>} : memref<2x8x4096xf32, #tpu.memory_space<vmem>>, vector<1x1x16xf32>,
        %get3A_202 = vector.shape_cast %get3A_201 : vector<1x1x16xf32> to vector<16xf32>
        %get3A_203 = arith.constant 1 : i32
        %get3A_204 = arith.constant 7 : i32
        %get3A_205 = arith.index_cast %get3A_203 : i32 to index
        %get3A_206 = arith.index_cast %get3A_204 : i32 to index
        %get3A_207 = arith.index_cast %mul3A_151 : i32 to index
        %get3A_208 = tpu.vector_load %arg4[%get3A_205, %get3A_206, %get3A_207] {strides = array<i32>} : memref<2x8x4096xf32, #tpu.memory_space<vmem>>, vector<1x1x16xf32>,
        %get3A_209 = vector.shape_cast %get3A_208 : vector<1x1x16xf32> to vector<16xf32>
        %add3A_210 = arith.addf %get3A_202, %get3A_209 : vector<16xf32>
        %get3A_211 = arith.index_cast %mul3A_151 : i32 to index
        %get3A_212 = tpu.vector_load %arg5[%get3A_211] {strides = array<i32>} : memref<4096xf32, #tpu.memory_space<vmem>>, vector<16xf32>,
        %get3A_213 = vector.shape_cast %get3A_212 : vector<16xf32> to vector<16xf32>
        %add3A_214 = arith.addf %add3A_165, %add3A_180 : vector<16xf32>
        %add3A_215 = arith.addf %add3A_195, %add3A_210 : vector<16xf32>
        %add3A_216 = arith.addf %add3A_214, %add3A_215 : vector<16xf32>
        %add3A_217 = arith.addf %get3A_213, %add3A_216 : vector<16xf32>
        %swap3A = arith.index_cast %mul3A_151 : i32 to index
        %swap3A_218 = tpu.vector_load %arg5[%swap3A] {strides = array<i32>} : memref<4096xf32, #tpu.memory_space<vmem>>, vector<16xf32>,
        %swap3A_219 = vector.shape_cast %swap3A_218 : vector<16xf32> to vector<16xf32>
        %swap3A_220 = vector.shape_cast %add3A_217 : vector<16xf32> to vector<16xf32>
        tpu.vector_store %arg5[%swap3A], %swap3A_220 {strides = array<i32>} : memref<4096xf32, #tpu.memory_space<vmem>>, vector<16xf32>,
        %mul3A_221 = arith.constant 4 : i32
        %mul3A_222 = arith.muli %scan3A_144, %mul3A_221 : i32
        %add3A_223 = arith.constant 1 : i32
        %add3A_224 = arith.addi %mul3A_222, %add3A_223 : i32
        %mul3A_225 = arith.constant 16 : i32
        %mul3A_226 = arith.muli %add3A_224, %mul3A_225 : i32
        %get3A_227 = arith.constant 1 : i32
        %get3A_228 = arith.constant 0 : i32
        %get3A_229 = arith.index_cast %get3A_227 : i32 to index
        %get3A_230 = arith.index_cast %get3A_228 : i32 to index
        %get3A_231 = arith.index_cast %mul3A_226 : i32 to index
        %get3A_232 = tpu.vector_load %arg4[%get3A_229, %get3A_230, %get3A_231] {strides = array<i32>} : memref<2x8x4096xf32, #tpu.memory_space<vmem>>, vector<1x1x16xf32>,
        %get3A_233 = vector.shape_cast %get3A_232 : vector<1x1x16xf32> to vector<16xf32>
        %get3A_234 = arith.constant 1 : i32
        %get3A_235 = arith.constant 1 : i32
        %get3A_236 = arith.index_cast %get3A_234 : i32 to index
        %get3A_237 = arith.index_cast %get3A_235 : i32 to index
        %get3A_238 = arith.index_cast %mul3A_226 : i32 to index
        %get3A_239 = tpu.vector_load %arg4[%get3A_236, %get3A_237, %get3A_238] {strides = array<i32>} : memref<2x8x4096xf32, #tpu.memory_space<vmem>>, vector<1x1x16xf32>,
        %get3A_240 = vector.shape_cast %get3A_239 : vector<1x1x16xf32> to vector<16xf32>
        %add3A_241 = arith.addf %get3A_233, %get3A_240 : vector<16xf32>
        %get3A_242 = arith.constant 1 : i32
        %get3A_243 = arith.constant 2 : i32
        %get3A_244 = arith.index_cast %get3A_242 : i32 to index
        %get3A_245 = arith.index_cast %get3A_243 : i32 to index
        %get3A_246 = arith.index_cast %mul3A_226 : i32 to index
        %get3A_247 = tpu.vector_load %arg4[%get3A_244, %get3A_245, %get3A_246] {strides = array<i32>} : memref<2x8x4096xf32, #tpu.memory_space<vmem>>, vector<1x1x16xf32>,
        %get3A_248 = vector.shape_cast %get3A_247 : vector<1x1x16xf32> to vector<16xf32>
        %get3A_249 = arith.constant 1 : i32
        %get3A_250 = arith.constant 3 : i32
        %get3A_251 = arith.index_cast %get3A_249 : i32 to index
        %get3A_252 = arith.index_cast %get3A_250 : i32 to index
        %get3A_253 = arith.index_cast %mul3A_226 : i32 to index
        %get3A_254 = tpu.vector_load %arg4[%get3A_251, %get3A_252, %get3A_253] {strides = array<i32>} : memref<2x8x4096xf32, #tpu.memory_space<vmem>>, vector<1x1x16xf32>,
        %get3A_255 = vector.shape_cast %get3A_254 : vector<1x1x16xf32> to vector<16xf32>
        %add3A_256 = arith.addf %get3A_248, %get3A_255 : vector<16xf32>
        %get3A_257 = arith.constant 1 : i32
        %get3A_258 = arith.constant 4 : i32
        %get3A_259 = arith.index_cast %get3A_257 : i32 to index
        %get3A_260 = arith.index_cast %get3A_258 : i32 to index
        %get3A_261 = arith.index_cast %mul3A_226 : i32 to index
        %get3A_262 = tpu.vector_load %arg4[%get3A_259, %get3A_260, %get3A_261] {strides = array<i32>} : memref<2x8x4096xf32, #tpu.memory_space<vmem>>, vector<1x1x16xf32>,
        %get3A_263 = vector.shape_cast %get3A_262 : vector<1x1x16xf32> to vector<16xf32>
        %get3A_264 = arith.constant 1 : i32
        %get3A_265 = arith.constant 5 : i32
        %get3A_266 = arith.index_cast %get3A_264 : i32 to index
        %get3A_267 = arith.index_cast %get3A_265 : i32 to index
        %get3A_268 = arith.index_cast %mul3A_226 : i32 to index
        %get3A_269 = tpu.vector_load %arg4[%get3A_266, %get3A_267, %get3A_268] {strides = array<i32>} : memref<2x8x4096xf32, #tpu.memory_space<vmem>>, vector<1x1x16xf32>,
        %get3A_270 = vector.shape_cast %get3A_269 : vector<1x1x16xf32> to vector<16xf32>
        %add3A_271 = arith.addf %get3A_263, %get3A_270 : vector<16xf32>
        %get3A_272 = arith.constant 1 : i32
        %get3A_273 = arith.constant 6 : i32
        %get3A_274 = arith.index_cast %get3A_272 : i32 to index
        %get3A_275 = arith.index_cast %get3A_273 : i32 to index
        %get3A_276 = arith.index_cast %mul3A_226 : i32 to index
        %get3A_277 = tpu.vector_load %arg4[%get3A_274, %get3A_275, %get3A_276] {strides = array<i32>} : memref<2x8x4096xf32, #tpu.memory_space<vmem>>, vector<1x1x16xf32>,
        %get3A_278 = vector.shape_cast %get3A_277 : vector<1x1x16xf32> to vector<16xf32>
        %get3A_279 = arith.constant 1 : i32
        %get3A_280 = arith.constant 7 : i32
        %get3A_281 = arith.index_cast %get3A_279 : i32 to index
        %get3A_282 = arith.index_cast %get3A_280 : i32 to index
        %get3A_283 = arith.index_cast %mul3A_226 : i32 to index
        %get3A_284 = tpu.vector_load %arg4[%get3A_281, %get3A_282, %get3A_283] {strides = array<i32>} : memref<2x8x4096xf32, #tpu.memory_space<vmem>>, vector<1x1x16xf32>,
        %get3A_285 = vector.shape_cast %get3A_284 : vector<1x1x16xf32> to vector<16xf32>
        %add3A_286 = arith.addf %get3A_278, %get3A_285 : vector<16xf32>
        %get3A_287 = arith.index_cast %mul3A_226 : i32 to index
        %get3A_288 = tpu.vector_load %arg5[%get3A_287] {strides = array<i32>} : memref<4096xf32, #tpu.memory_space<vmem>>, vector<16xf32>,
        %get3A_289 = vector.shape_cast %get3A_288 : vector<16xf32> to vector<16xf32>
        %add3A_290 = arith.addf %add3A_241, %add3A_256 : vector<16xf32>
        %add3A_291 = arith.addf %add3A_271, %add3A_286 : vector<16xf32>
        %add3A_292 = arith.addf %add3A_290, %add3A_291 : vector<16xf32>
        %add3A_293 = arith.addf %get3A_289, %add3A_292 : vector<16xf32>
        %swap3A_294 = arith.index_cast %mul3A_226 : i32 to index
        %swap3A_295 = tpu.vector_load %arg5[%swap3A_294] {strides = array<i32>} : memref<4096xf32, #tpu.memory_space<vmem>>, vector<16xf32>,
        %swap3A_296 = vector.shape_cast %swap3A_295 : vector<16xf32> to vector<16xf32>
        %swap3A_297 = vector.shape_cast %add3A_293 : vector<16xf32> to vector<16xf32>
        tpu.vector_store %arg5[%swap3A_294], %swap3A_297 {strides = array<i32>} : memref<4096xf32, #tpu.memory_space<vmem>>, vector<16xf32>,
        %mul3A_298 = arith.constant 4 : i32
        %mul3A_299 = arith.muli %scan3A_144, %mul3A_298 : i32
        %add3A_300 = arith.constant 2 : i32
        %add3A_301 = arith.addi %mul3A_299, %add3A_300 : i32
        %mul3A_302 = arith.constant 16 : i32
        %mul3A_303 = arith.muli %add3A_301, %mul3A_302 : i32
        %get3A_304 = arith.constant 1 : i32
        %get3A_305 = arith.constant 0 : i32
        %get3A_306 = arith.index_cast %get3A_304 : i32 to index
        %get3A_307 = arith.index_cast %get3A_305 : i32 to index
        %get3A_308 = arith.index_cast %mul3A_303 : i32 to index
        %get3A_309 = tpu.vector_load %arg4[%get3A_306, %get3A_307, %get3A_308] {strides = array<i32>} : memref<2x8x4096xf32, #tpu.memory_space<vmem>>, vector<1x1x16xf32>,
        %get3A_310 = vector.shape_cast %get3A_309 : vector<1x1x16xf32> to vector<16xf32>
        %get3A_311 = arith.constant 1 : i32
        %get3A_312 = arith.constant 1 : i32
        %get3A_313 = arith.index_cast %get3A_311 : i32 to index
        %get3A_314 = arith.index_cast %get3A_312 : i32 to index
        %get3A_315 = arith.index_cast %mul3A_303 : i32 to index
        %get3A_316 = tpu.vector_load %arg4[%get3A_313, %get3A_314, %get3A_315] {strides = array<i32>} : memref<2x8x4096xf32, #tpu.memory_space<vmem>>, vector<1x1x16xf32>,
        %get3A_317 = vector.shape_cast %get3A_316 : vector<1x1x16xf32> to vector<16xf32>
        %add3A_318 = arith.addf %get3A_310, %get3A_317 : vector<16xf32>
        %get3A_319 = arith.constant 1 : i32
        %get3A_320 = arith.constant 2 : i32
        %get3A_321 = arith.index_cast %get3A_319 : i32 to index
        %get3A_322 = arith.index_cast %get3A_320 : i32 to index
        %get3A_323 = arith.index_cast %mul3A_303 : i32 to index
        %get3A_324 = tpu.vector_load %arg4[%get3A_321, %get3A_322, %get3A_323] {strides = array<i32>} : memref<2x8x4096xf32, #tpu.memory_space<vmem>>, vector<1x1x16xf32>,
        %get3A_325 = vector.shape_cast %get3A_324 : vector<1x1x16xf32> to vector<16xf32>
        %get3A_326 = arith.constant 1 : i32
        %get3A_327 = arith.constant 3 : i32
        %get3A_328 = arith.index_cast %get3A_326 : i32 to index
        %get3A_329 = arith.index_cast %get3A_327 : i32 to index
        %get3A_330 = arith.index_cast %mul3A_303 : i32 to index
        %get3A_331 = tpu.vector_load %arg4[%get3A_328, %get3A_329, %get3A_330] {strides = array<i32>} : memref<2x8x4096xf32, #tpu.memory_space<vmem>>, vector<1x1x16xf32>,
        %get3A_332 = vector.shape_cast %get3A_331 : vector<1x1x16xf32> to vector<16xf32>
        %add3A_333 = arith.addf %get3A_325, %get3A_332 : vector<16xf32>
        %get3A_334 = arith.constant 1 : i32
        %get3A_335 = arith.constant 4 : i32
        %get3A_336 = arith.index_cast %get3A_334 : i32 to index
        %get3A_337 = arith.index_cast %get3A_335 : i32 to index
        %get3A_338 = arith.index_cast %mul3A_303 : i32 to index
        %get3A_339 = tpu.vector_load %arg4[%get3A_336, %get3A_337, %get3A_338] {strides = array<i32>} : memref<2x8x4096xf32, #tpu.memory_space<vmem>>, vector<1x1x16xf32>,
        %get3A_340 = vector.shape_cast %get3A_339 : vector<1x1x16xf32> to vector<16xf32>
        %get3A_341 = arith.constant 1 : i32
        %get3A_342 = arith.constant 5 : i32
        %get3A_343 = arith.index_cast %get3A_341 : i32 to index
        %get3A_344 = arith.index_cast %get3A_342 : i32 to index
        %get3A_345 = arith.index_cast %mul3A_303 : i32 to index
        %get3A_346 = tpu.vector_load %arg4[%get3A_343, %get3A_344, %get3A_345] {strides = array<i32>} : memref<2x8x4096xf32, #tpu.memory_space<vmem>>, vector<1x1x16xf32>,
        %get3A_347 = vector.shape_cast %get3A_346 : vector<1x1x16xf32> to vector<16xf32>
        %add3A_348 = arith.addf %get3A_340, %get3A_347 : vector<16xf32>
        %get3A_349 = arith.constant 1 : i32
        %get3A_350 = arith.constant 6 : i32
        %get3A_351 = arith.index_cast %get3A_349 : i32 to index
        %get3A_352 = arith.index_cast %get3A_350 : i32 to index
        %get3A_353 = arith.index_cast %mul3A_303 : i32 to index
        %get3A_354 = tpu.vector_load %arg4[%get3A_351, %get3A_352, %get3A_353] {strides = array<i32>} : memref<2x8x4096xf32, #tpu.memory_space<vmem>>, vector<1x1x16xf32>,
        %get3A_355 = vector.shape_cast %get3A_354 : vector<1x1x16xf32> to vector<16xf32>
        %get3A_356 = arith.constant 1 : i32
        %get3A_357 = arith.constant 7 : i32
        %get3A_358 = arith.index_cast %get3A_356 : i32 to index
        %get3A_359 = arith.index_cast %get3A_357 : i32 to index
        %get3A_360 = arith.index_cast %mul3A_303 : i32 to index
        %get3A_361 = tpu.vector_load %arg4[%get3A_358, %get3A_359, %get3A_360] {strides = array<i32>} : memref<2x8x4096xf32, #tpu.memory_space<vmem>>, vector<1x1x16xf32>,
        %get3A_362 = vector.shape_cast %get3A_361 : vector<1x1x16xf32> to vector<16xf32>
        %add3A_363 = arith.addf %get3A_355, %get3A_362 : vector<16xf32>
        %get3A_364 = arith.index_cast %mul3A_303 : i32 to index
        %get3A_365 = tpu.vector_load %arg5[%get3A_364] {strides = array<i32>} : memref<4096xf32, #tpu.memory_space<vmem>>, vector<16xf32>,
        %get3A_366 = vector.shape_cast %get3A_365 : vector<16xf32> to vector<16xf32>
        %add3A_367 = arith.addf %add3A_318, %add3A_333 : vector<16xf32>
        %add3A_368 = arith.addf %add3A_348, %add3A_363 : vector<16xf32>
        %add3A_369 = arith.addf %add3A_367, %add3A_368 : vector<16xf32>
        %add3A_370 = arith.addf %get3A_366, %add3A_369 : vector<16xf32>
        %swap3A_371 = arith.index_cast %mul3A_303 : i32 to index
        %swap3A_372 = tpu.vector_load %arg5[%swap3A_371] {strides = array<i32>} : memref<4096xf32, #tpu.memory_space<vmem>>, vector<16xf32>,
        %swap3A_373 = vector.shape_cast %swap3A_372 : vector<16xf32> to vector<16xf32>
        %swap3A_374 = vector.shape_cast %add3A_370 : vector<16xf32> to vector<16xf32>
        tpu.vector_store %arg5[%swap3A_371], %swap3A_374 {strides = array<i32>} : memref<4096xf32, #tpu.memory_space<vmem>>, vector<16xf32>,
        %mul3A_375 = arith.constant 4 : i32
        %mul3A_376 = arith.muli %scan3A_144, %mul3A_375 : i32
        %add3A_377 = arith.constant 3 : i32
        %add3A_378 = arith.addi %mul3A_376, %add3A_377 : i32
        %mul3A_379 = arith.constant 16 : i32
        %mul3A_380 = arith.muli %add3A_378, %mul3A_379 : i32
        %get3A_381 = arith.constant 1 : i32
        %get3A_382 = arith.constant 0 : i32
        %get3A_383 = arith.index_cast %get3A_381 : i32 to index
        %get3A_384 = arith.index_cast %get3A_382 : i32 to index
        %get3A_385 = arith.index_cast %mul3A_380 : i32 to index
        %get3A_386 = tpu.vector_load %arg4[%get3A_383, %get3A_384, %get3A_385] {strides = array<i32>} : memref<2x8x4096xf32, #tpu.memory_space<vmem>>, vector<1x1x16xf32>,
        %get3A_387 = vector.shape_cast %get3A_386 : vector<1x1x16xf32> to vector<16xf32>
        %get3A_388 = arith.constant 1 : i32
        %get3A_389 = arith.constant 1 : i32
        %get3A_390 = arith.index_cast %get3A_388 : i32 to index
        %get3A_391 = arith.index_cast %get3A_389 : i32 to index
        %get3A_392 = arith.index_cast %mul3A_380 : i32 to index
        %get3A_393 = tpu.vector_load %arg4[%get3A_390, %get3A_391, %get3A_392] {strides = array<i32>} : memref<2x8x4096xf32, #tpu.memory_space<vmem>>, vector<1x1x16xf32>,
        %get3A_394 = vector.shape_cast %get3A_393 : vector<1x1x16xf32> to vector<16xf32>
        %add3A_395 = arith.addf %get3A_387, %get3A_394 : vector<16xf32>
        %get3A_396 = arith.constant 1 : i32
        %get3A_397 = arith.constant 2 : i32
        %get3A_398 = arith.index_cast %get3A_396 : i32 to index
        %get3A_399 = arith.index_cast %get3A_397 : i32 to index
        %get3A_400 = arith.index_cast %mul3A_380 : i32 to index
        %get3A_401 = tpu.vector_load %arg4[%get3A_398, %get3A_399, %get3A_400] {strides = array<i32>} : memref<2x8x4096xf32, #tpu.memory_space<vmem>>, vector<1x1x16xf32>,
        %get3A_402 = vector.shape_cast %get3A_401 : vector<1x1x16xf32> to vector<16xf32>
        %get3A_403 = arith.constant 1 : i32
        %get3A_404 = arith.constant 3 : i32
        %get3A_405 = arith.index_cast %get3A_403 : i32 to index
        %get3A_406 = arith.index_cast %get3A_404 : i32 to index
        %get3A_407 = arith.index_cast %mul3A_380 : i32 to index
        %get3A_408 = tpu.vector_load %arg4[%get3A_405, %get3A_406, %get3A_407] {strides = array<i32>} : memref<2x8x4096xf32, #tpu.memory_space<vmem>>, vector<1x1x16xf32>,
        %get3A_409 = vector.shape_cast %get3A_408 : vector<1x1x16xf32> to vector<16xf32>
        %add3A_410 = arith.addf %get3A_402, %get3A_409 : vector<16xf32>
        %get3A_411 = arith.constant 1 : i32
        %get3A_412 = arith.constant 4 : i32
        %get3A_413 = arith.index_cast %get3A_411 : i32 to index
        %get3A_414 = arith.index_cast %get3A_412 : i32 to index
        %get3A_415 = arith.index_cast %mul3A_380 : i32 to index
        %get3A_416 = tpu.vector_load %arg4[%get3A_413, %get3A_414, %get3A_415] {strides = array<i32>} : memref<2x8x4096xf32, #tpu.memory_space<vmem>>, vector<1x1x16xf32>,
        %get3A_417 = vector.shape_cast %get3A_416 : vector<1x1x16xf32> to vector<16xf32>
        %get3A_418 = arith.constant 1 : i32
        %get3A_419 = arith.constant 5 : i32
        %get3A_420 = arith.index_cast %get3A_418 : i32 to index
        %get3A_421 = arith.index_cast %get3A_419 : i32 to index
        %get3A_422 = arith.index_cast %mul3A_380 : i32 to index
        %get3A_423 = tpu.vector_load %arg4[%get3A_420, %get3A_421, %get3A_422] {strides = array<i32>} : memref<2x8x4096xf32, #tpu.memory_space<vmem>>, vector<1x1x16xf32>,
        %get3A_424 = vector.shape_cast %get3A_423 : vector<1x1x16xf32> to vector<16xf32>
        %add3A_425 = arith.addf %get3A_417, %get3A_424 : vector<16xf32>
        %get3A_426 = arith.constant 1 : i32
        %get3A_427 = arith.constant 6 : i32
        %get3A_428 = arith.index_cast %get3A_426 : i32 to index
        %get3A_429 = arith.index_cast %get3A_427 : i32 to index
        %get3A_430 = arith.index_cast %mul3A_380 : i32 to index
        %get3A_431 = tpu.vector_load %arg4[%get3A_428, %get3A_429, %get3A_430] {strides = array<i32>} : memref<2x8x4096xf32, #tpu.memory_space<vmem>>, vector<1x1x16xf32>,
        %get3A_432 = vector.shape_cast %get3A_431 : vector<1x1x16xf32> to vector<16xf32>
        %get3A_433 = arith.constant 1 : i32
        %get3A_434 = arith.constant 7 : i32
        %get3A_435 = arith.index_cast %get3A_433 : i32 to index
        %get3A_436 = arith.index_cast %get3A_434 : i32 to index
        %get3A_437 = arith.index_cast %mul3A_380 : i32 to index
        %get3A_438 = tpu.vector_load %arg4[%get3A_435, %get3A_436, %get3A_437] {strides = array<i32>} : memref<2x8x4096xf32, #tpu.memory_space<vmem>>, vector<1x1x16xf32>,
        %get3A_439 = vector.shape_cast %get3A_438 : vector<1x1x16xf32> to vector<16xf32>
        %add3A_440 = arith.addf %get3A_432, %get3A_439 : vector<16xf32>
        %get3A_441 = arith.index_cast %mul3A_380 : i32 to index
        %get3A_442 = tpu.vector_load %arg5[%get3A_441] {strides = array<i32>} : memref<4096xf32, #tpu.memory_space<vmem>>, vector<16xf32>,
        %get3A_443 = vector.shape_cast %get3A_442 : vector<16xf32> to vector<16xf32>
        %add3A_444 = arith.addf %add3A_395, %add3A_410 : vector<16xf32>
        %add3A_445 = arith.addf %add3A_425, %add3A_440 : vector<16xf32>
        %add3A_446 = arith.addf %add3A_444, %add3A_445 : vector<16xf32>
        %add3A_447 = arith.addf %get3A_443, %add3A_446 : vector<16xf32>
        %swap3A_448 = arith.index_cast %mul3A_380 : i32 to index
        %swap3A_449 = tpu.vector_load %arg5[%swap3A_448] {strides = array<i32>} : memref<4096xf32, #tpu.memory_space<vmem>>, vector<16xf32>,
        %swap3A_450 = vector.shape_cast %swap3A_449 : vector<16xf32> to vector<16xf32>
        %swap3A_451 = vector.shape_cast %add3A_447 : vector<16xf32> to vector<16xf32>
        tpu.vector_store %arg5[%swap3A_448], %swap3A_451 {strides = array<i32>} : memref<4096xf32, #tpu.memory_space<vmem>>, vector<16xf32>,
        %scan3A_452 = arith.constant 0 : i32
        scf.yield %scan3A_452 : i32
      }
      %scan3A_135 = arith.constant 64 : i32
      %add3A_136 = arith.constant 2 : i32
      %add3A_137 = arith.addi %add3A_112, %add3A_136 : i32
      %lt3A_138 = arith.constant 8 : i32
      %lt3A_139 = arith.cmpi slt, %add3A_137, %lt3A_138 : i32
      %convert_element_type3A_140 = arith.extui %lt3A_139 : i1 to i32
      %cond3A_141 = arith.constant 0 : i32
      %cond3A_142 = arith.cmpi ne, %convert_element_type3A_140, %cond3A_141 : i32
      scf.if %cond3A_142 {
        %add3A_144 = arith.constant 2 : i32
        %add3A_145 = arith.addi %add3A_112, %add3A_144 : i32
        %mul3A_146 = arith.constant 8 : i32
        %mul3A_147 = arith.muli %add3A_145, %mul3A_146 : i32
        %add3A_148 = arith.addi %add3A_37, %mul3A_147 : i32
        %dma_start3A_149 = arith.constant 1 : i32
        %dma_start3A_150 = arith.constant 0 : i32
        %dma_start3A_151 = arith.constant 0 : i32
        %dma_start3A_152 = tpu.memref_slice %arg4[%dma_start3A_149, %dma_start3A_150, %dma_start3A_151] : memref<2x8x4096xf32, #tpu.memory_space<vmem>> -> memref<1x8x4096xf32, #tpu.memory_space<vmem>>
        %dma_start3A_153 = tpu.memref_squeeze %dma_start3A_152 : memref<1x8x4096xf32, #tpu.memory_space<vmem>> -> memref<8x4096xf32, #tpu.memory_space<vmem>>
        %dma_start3A_154 = arith.constant 0 : i32
        %dma_start3A_155 = tpu.memref_slice %arg2[%add3A_148, %dma_start3A_154] : memref<32768x4096xf32, #tpu.memory_space<hbm>> -> memref<8x4096xf32, #tpu.memory_space<hbm>>
        %dma_start3A_156 = arith.constant 0 : i32
        %dma_start3A_157 = arith.constant 0 : i32
        %dma_start3A_158 = tpu.memref_slice %arg4[%dma_start3A_149, %dma_start3A_156, %dma_start3A_157] : memref<2x8x4096xf32, #tpu.memory_space<vmem>> -> memref<1x8x4096xf32, #tpu.memory_space<vmem>>
        %dma_start3A_159 = tpu.memref_squeeze %dma_start3A_158 : memref<1x8x4096xf32, #tpu.memory_space<vmem>> -> memref<8x4096xf32, #tpu.memory_space<vmem>>
        %dma_start3A_160 = arith.constant 0 : i32
        %dma_start3A_161 = tpu.memref_slice %arg2[%add3A_148, %dma_start3A_160] : memref<32768x4096xf32, #tpu.memory_space<hbm>> -> memref<8x4096xf32, #tpu.memory_space<hbm>>
        tpu.enqueue_dma source(%dma_start3A_161 : memref<8x4096xf32, #tpu.memory_space<hbm>>) target(%dma_start3A_159 : memref<8x4096xf32, #tpu.memory_space<vmem>>) target_semaphore(%arg7 : memref<!tpu.dma_semaphore, #tpu.memory_space<semaphore_mem>>)
      } else {
      }
      %scan3A_143 = arith.constant 0 : i32
      scf.yield %scan3A_143 : i32
    }
    %scan3A_79 = arith.constant 4 : i32
    "tpu.region"() ({
      %run_scoped3A = tpu.sem_alloc : memref<!tpu.dma_semaphore, #tpu.memory_space<semaphore_mem>>
      %dma_start3A_80 = arith.constant 0 : i32
      %dma_start3A_81 = tpu.memref_slice %arg3[%add3A, %dma_start3A_80] : memref<32x4096xf32, #tpu.memory_space<hbm>> -> memref<1x4096xf32, #tpu.memory_space<hbm>>
      %dma_start3A_82 = tpu.memref_squeeze %dma_start3A_81 : memref<1x4096xf32, #tpu.memory_space<hbm>> -> memref<4096xf32, #tpu.memory_space<hbm>>
      %dma_start3A_83 = arith.constant 0 : i32
      %dma_start3A_84 = tpu.memref_slice %arg3[%add3A, %dma_start3A_83] : memref<32x4096xf32, #tpu.memory_space<hbm>> -> memref<1x4096xf32, #tpu.memory_space<hbm>>
      %dma_start3A_85 = tpu.memref_squeeze %dma_start3A_84 : memref<1x4096xf32, #tpu.memory_space<hbm>> -> memref<4096xf32, #tpu.memory_space<hbm>>
      tpu.enqueue_dma source(%arg5 : memref<4096xf32, #tpu.memory_space<vmem>>) target(%dma_start3A_85 : memref<4096xf32, #tpu.memory_space<hbm>>) target_semaphore(%run_scoped3A : memref<!tpu.dma_semaphore, #tpu.memory_space<semaphore_mem>>)
      %dma_wait3A = arith.constant 0 : i32
      %dma_wait3A_86 = tpu.memref_slice %arg3[%add3A, %dma_wait3A] : memref<32x4096xf32, #tpu.memory_space<hbm>> -> memref<1x4096xf32, #tpu.memory_space<hbm>>
      %dma_wait3A_87 = tpu.memref_squeeze %dma_wait3A_86 : memref<1x4096xf32, #tpu.memory_space<hbm>> -> memref<4096xf32, #tpu.memory_space<hbm>>
      %dma_wait3A_88 = arith.constant 0 : i32
      %dma_wait3A_89 = tpu.memref_slice %arg3[%add3A, %dma_wait3A_88] : memref<32x4096xf32, #tpu.memory_space<hbm>> -> memref<1x4096xf32, #tpu.memory_space<hbm>>
      %dma_wait3A_90 = tpu.memref_squeeze %dma_wait3A_89 : memref<1x4096xf32, #tpu.memory_space<hbm>> -> memref<4096xf32, #tpu.memory_space<hbm>>
      tpu.wait_dma2 semaphore(%run_scoped3A : memref<!tpu.dma_semaphore, #tpu.memory_space<semaphore_mem>>) src(%arg5 : memref<4096xf32, #tpu.memory_space<vmem>>) dst(%dma_wait3A_90 : memref<4096xf32, #tpu.memory_space<hbm>>)
      tpu.yield
    }) : () -> ()
    return
  }
}

module attributes {stable_mosaic.version = 14 : i64} {
  func.func @_finish_body(%arg0: memref<4x4096xf32, #tpu.memory_space<vmem>>, %arg1: memref<32x4096xf32, #tpu.memory_space<vmem>>, %arg2: memref<64x4096xf32, #tpu.memory_space<vmem>>, %arg3: memref<1x64xf32, #tpu.memory_space<vmem>>, %arg4: memref<4x64xf32, #tpu.memory_space<vmem>>) attributes {dimension_semantics = [], scalar_prefetch = 0 : i64, scratch_operands = 0 : i64, tpu.core_type = #tpu.core_type<tc>} {
    %iota3A = tpu.iota {dimensions = array<i32: 1>} : vector<4x32xi32>
    %jit3A = arith.constant 8 : i32
    %div3A = vector.broadcast %jit3A : i32 to vector<4x32xi32>
    %div3A_0 = arith.divsi %iota3A, %div3A : vector<4x32xi32>
    %sign3A = arith.constant 0 : i32
    %sign3A_1 = vector.broadcast %sign3A : i32 to vector<4x32xi32>
    %sign3A_2 = arith.cmpi sgt, %iota3A, %sign3A_1 : vector<4x32xi32>
    %sign3A_3 = arith.extui %sign3A_2 : vector<4x32xi1> to vector<4x32xi32>
    %sign3A_4 = arith.constant 0 : i32
    %sign3A_5 = vector.broadcast %sign3A_4 : i32 to vector<4x32xi32>
    %sign3A_6 = arith.cmpi slt, %iota3A, %sign3A_5 : vector<4x32xi32>
    %sign3A_7 = arith.extui %sign3A_6 : vector<4x32xi1> to vector<4x32xi32>
    %sign3A_8 = arith.subi %sign3A_3, %sign3A_7 : vector<4x32xi32>
    %sign3A_9 = arith.constant 0 : i32
    %sign3A_10 = arith.cmpi sgt, %jit3A, %sign3A_9 : i32
    %sign3A_11 = arith.extui %sign3A_10 : i1 to i32
    %sign3A_12 = arith.constant 0 : i32
    %sign3A_13 = arith.cmpi slt, %jit3A, %sign3A_12 : i32
    %sign3A_14 = arith.extui %sign3A_13 : i1 to i32
    %sign3A_15 = arith.subi %sign3A_11, %sign3A_14 : i32
    %ne3A = vector.broadcast %sign3A_15 : i32 to vector<4x32xi32>
    %ne3A_16 = arith.cmpi ne, %sign3A_8, %ne3A : vector<4x32xi32>
    %rem3A = vector.broadcast %jit3A : i32 to vector<4x32xi32>
    %rem3A_17 = arith.remsi %iota3A, %rem3A : vector<4x32xi32>
    %ne3A_18 = arith.constant 0 : i32
    %ne3A_19 = vector.broadcast %ne3A_18 : i32 to vector<4x32xi32>
    %ne3A_20 = arith.cmpi ne, %rem3A_17, %ne3A_19 : vector<4x32xi32>
    %and3A = arith.andi %ne3A_16, %ne3A_20 : vector<4x32xi1>
    %sub3A = arith.constant 1 : i32
    %sub3A_21 = vector.broadcast %sub3A : i32 to vector<4x32xi32>
    %sub3A_22 = arith.subi %div3A_0, %sub3A_21 : vector<4x32xi32>
    %select_n3A = arith.select %and3A, %sub3A_22, %div3A_0 : vector<4x32xi1>, vector<4x32xi32>
    %iota3A_23 = tpu.iota {dimensions = array<i32: 0>} : vector<4x32xi32>
    %eq3A = arith.cmpi eq, %select_n3A, %iota3A_23 : vector<4x32xi32>
    %convert_element_type3A = arith.extui %eq3A : vector<4x32xi1> to vector<4x32xi32>
    %convert_element_type3A_24 = arith.sitofp %convert_element_type3A : vector<4x32xi32> to vector<4x32xf32>
    %get3A = arith.constant 0 : index
    %get3A_25 = arith.constant 0 : index
    %get3A_26 = vector.load %arg0[%get3A, %get3A_25] : memref<4x4096xf32, #tpu.memory_space<vmem>>, vector<4x4096xf32>
    %get3A_27 = arith.constant 0 : index
    %get3A_28 = arith.constant 0 : index
    %get3A_29 = vector.load %arg1[%get3A_27, %get3A_28] : memref<32x4096xf32, #tpu.memory_space<vmem>>, vector<32x4096xf32>
    %dot_general3A = arith.constant dense<0.000000e+00> : vector<4x4096xf32>
    %dot_general3A_30 = tpu.matmul %convert_element_type3A_24, %get3A_29, %dot_general3A {dimension_numbers = #tpu.dot_dimension_numbers<[1], [0], [0], [1], [0, 0, 1, 1], [], []>, transpose_lhs_hint = false} : vector<4x32xf32>, vector<32x4096xf32>, vector<4x4096xf32> -> vector<4x4096xf32>
    %add3A = arith.addf %get3A_26, %dot_general3A_30 : vector<4x4096xf32>
    %mul3A = arith.constant 1.22070313E-4 : f32
    %mul3A_31 = vector.broadcast %mul3A : f32 to vector<4x4096xf32>
    %mul3A_32 = arith.mulf %add3A, %mul3A_31 : vector<4x4096xf32>
    %get3A_33 = arith.constant 0 : index
    %get3A_34 = arith.constant 0 : index
    %get3A_35 = vector.load %arg2[%get3A_33, %get3A_34] : memref<64x4096xf32, #tpu.memory_space<vmem>>, vector<64x4096xf32>
    %dot_general3A_36 = arith.constant dense<0.000000e+00> : vector<4x64xf32>
    %dot_general3A_37 = tpu.matmul %mul3A_32, %get3A_35, %dot_general3A_36 {dimension_numbers = #tpu.dot_dimension_numbers<[1], [1], [0], [0], [0, 0, 1, 0], [], []>, transpose_lhs_hint = false} : vector<4x4096xf32>, vector<64x4096xf32>, vector<4x64xf32> -> vector<4x64xf32>
    %get3A_38 = arith.constant 0 : index
    %get3A_39 = arith.constant 0 : index
    %get3A_40 = vector.load %arg3[%get3A_38, %get3A_39] : memref<1x64xf32, #tpu.memory_space<vmem>>, vector<1x64xf32>
    %add3A_41 = vector.broadcast %get3A_40 : vector<1x64xf32> to vector<4x64xf32>
    %add3A_42 = arith.addf %dot_general3A_37, %add3A_41 : vector<4x64xf32>
    %reduce_max3A = arith.constant dense<0xFF800000> : vector<4xf32>
    %reduce_max3A_43 = vector.multi_reduction <maximumf>, %add3A_42, %reduce_max3A [1] : vector<4x64xf32> to vector<4xf32>
    %broadcast_in_dim3A = vector.shape_cast %reduce_max3A_43 : vector<4xf32> to vector<4x1xf32>
    %sub3A_44 = vector.broadcast %broadcast_in_dim3A : vector<4x1xf32> to vector<4x64xf32>
    %sub3A_45 = arith.subf %add3A_42, %sub3A_44 : vector<4x64xf32>
    %exp3A = math.exp %sub3A_45 : vector<4x64xf32>
    %reduce_sum3A = arith.constant dense<0.000000e+00> : vector<4xf32>
    %reduce_sum3A_46 = vector.multi_reduction <add>, %exp3A, %reduce_sum3A [1] : vector<4x64xf32> to vector<4xf32>
    %broadcast_in_dim3A_47 = vector.shape_cast %reduce_sum3A_46 : vector<4xf32> to vector<4x1xf32>
    %div3A_48 = vector.broadcast %broadcast_in_dim3A_47 : vector<4x1xf32> to vector<4x64xf32>
    %div3A_49 = arith.divf %exp3A, %div3A_48 : vector<4x64xf32>
    %swap3A = arith.constant 0 : index
    %swap3A_50 = arith.constant 0 : index
    %swap3A_51 = vector.load %arg4[%swap3A, %swap3A_50] : memref<4x64xf32, #tpu.memory_space<vmem>>, vector<4x64xf32>
    tpu.vector_store %arg4[%swap3A, %swap3A_50], %div3A_49 {strides = array<i32>} : memref<4x64xf32, #tpu.memory_space<vmem>>, vector<4x64xf32>,
    return
  }
}

module attributes {stable_mosaic.version = 14 : i64} {
  func.func @_tc_sum_body(%arg0: i32, %arg1: memref<512x4096xf32, #tpu.memory_space<vmem>>, %arg2: memref<4x4096xf32, #tpu.memory_space<vmem>>, %arg3: memref<4x4096xf32, #tpu.memory_space<vmem>>) attributes {dimension_semantics = [#tpu.dimension_semantics<arbitrary>], iteration_bounds = array<i64: 60>, scalar_prefetch = 0 : i64, scratch_operands = 1 : i64, tpu.core_type = #tpu.core_type<tc>, window_params = [{transform_indices = @transform_0, window_bounds = array<i64: 512, 4096>}, {pipeline_mode = #tpu.pipeline_mode<synchronous>, transform_indices = @transform_1, window_bounds = array<i64: 4, 4096>}]} {
    %eq3A = arith.constant 0 : i32
    %eq3A_0 = arith.cmpi eq, %arg0, %eq3A : i32
    %convert_element_type3A = arith.extui %eq3A_0 : i1 to i32
    %cond3A = arith.constant 0 : i32
    %cond3A_1 = arith.cmpi ne, %convert_element_type3A, %cond3A : i32
    scf.if %cond3A_1 {
      %broadcast_in_dim3A_40 = arith.constant 0.000000e+00 : f32
      %broadcast_in_dim3A_41 = vector.broadcast %broadcast_in_dim3A_40 : f32 to vector<4x4096xf32>
      %swap3A_42 = arith.constant 0 : index
      %swap3A_43 = arith.constant 0 : index
      %swap3A_44 = vector.load %arg3[%swap3A_42, %swap3A_43] : memref<4x4096xf32, #tpu.memory_space<vmem>>, vector<4x4096xf32>
      tpu.vector_store %arg3[%swap3A_42, %swap3A_43], %broadcast_in_dim3A_41 {strides = array<i32>} : memref<4x4096xf32, #tpu.memory_space<vmem>>, vector<4x4096xf32>,
    } else {
    }
    %get3A = arith.constant 0 : index
    %get3A_2 = arith.constant 0 : index
    %get3A_3 = vector.load %arg1[%get3A, %get3A_2] : memref<512x4096xf32, #tpu.memory_space<vmem>>, vector<512x4096xf32>
    %reduce_sum3A = arith.constant dense<0.000000e+00> : vector<4096xf32>
    %reduce_sum3A_4 = vector.multi_reduction <add>, %get3A_3, %reduce_sum3A [0] : vector<512x4096xf32> to vector<4096xf32>
    %broadcast_in_dim3A = vector.shape_cast %reduce_sum3A_4 : vector<4096xf32> to vector<1x4096xf32>
    %jit3A = arith.constant 15 : i32
    %div3A = arith.divsi %arg0, %jit3A : i32
    %sign3A = arith.constant 0 : i32
    %sign3A_5 = arith.cmpi sgt, %arg0, %sign3A : i32
    %sign3A_6 = arith.extui %sign3A_5 : i1 to i32
    %sign3A_7 = arith.constant 0 : i32
    %sign3A_8 = arith.cmpi slt, %arg0, %sign3A_7 : i32
    %sign3A_9 = arith.extui %sign3A_8 : i1 to i32
    %sign3A_10 = arith.subi %sign3A_6, %sign3A_9 : i32
    %sign3A_11 = arith.constant 0 : i32
    %sign3A_12 = arith.cmpi sgt, %jit3A, %sign3A_11 : i32
    %sign3A_13 = arith.extui %sign3A_12 : i1 to i32
    %sign3A_14 = arith.constant 0 : i32
    %sign3A_15 = arith.cmpi slt, %jit3A, %sign3A_14 : i32
    %sign3A_16 = arith.extui %sign3A_15 : i1 to i32
    %sign3A_17 = arith.subi %sign3A_13, %sign3A_16 : i32
    %ne3A = arith.cmpi ne, %sign3A_10, %sign3A_17 : i32
    %rem3A = arith.remsi %arg0, %jit3A : i32
    %ne3A_18 = arith.constant 0 : i32
    %ne3A_19 = arith.cmpi ne, %rem3A, %ne3A_18 : i32
    %and3A = arith.andi %ne3A, %ne3A_19 : i1
    %sub3A = arith.constant 1 : i32
    %sub3A_20 = arith.subi %div3A, %sub3A : i32
    %select_n3A = arith.select %and3A, %sub3A_20, %div3A : i32
    %iota3A = tpu.iota {dimensions = array<i32: 0>} : vector<4x1xi32>
    %eq3A_21 = vector.broadcast %select_n3A : i32 to vector<4x1xi32>
    %eq3A_22 = arith.cmpi eq, %iota3A, %eq3A_21 : vector<4x1xi32>
    %get3A_23 = arith.constant 0 : index
    %get3A_24 = arith.constant 0 : index
    %get3A_25 = vector.load %arg3[%get3A_23, %get3A_24] : memref<4x4096xf32, #tpu.memory_space<vmem>>, vector<4x4096xf32>
    %jit3A_26 = arith.constant 0.000000e+00 : f32
    %broadcast_in_dim3A_27 = vector.shape_cast %eq3A_22 : vector<4x1xi1> to vector<4x1xi1>
    %broadcast_in_dim3A_28 = vector.broadcast %broadcast_in_dim3A_27 : vector<4x1xi1> to vector<4x4096xi1>
    %broadcast_in_dim3A_29 = vector.shape_cast %broadcast_in_dim3A : vector<1x4096xf32> to vector<1x4096xf32>
    %broadcast_in_dim3A_30 = vector.broadcast %broadcast_in_dim3A_29 : vector<1x4096xf32> to vector<4x4096xf32>
    %broadcast_in_dim3A_31 = vector.broadcast %jit3A_26 : f32 to vector<4x4096xf32>
    %select_n3A_32 = arith.select %broadcast_in_dim3A_28, %broadcast_in_dim3A_30, %broadcast_in_dim3A_31 : vector<4x4096xi1>, vector<4x4096xf32>
    %add3A = arith.addf %get3A_25, %select_n3A_32 : vector<4x4096xf32>
    %swap3A = arith.constant 0 : index
    %swap3A_33 = arith.constant 0 : index
    %swap3A_34 = vector.load %arg3[%swap3A, %swap3A_33] : memref<4x4096xf32, #tpu.memory_space<vmem>>, vector<4x4096xf32>
    tpu.vector_store %arg3[%swap3A, %swap3A_33], %add3A {strides = array<i32>} : memref<4x4096xf32, #tpu.memory_space<vmem>>, vector<4x4096xf32>,
    %eq3A_35 = arith.constant 59 : i32
    %eq3A_36 = arith.cmpi eq, %arg0, %eq3A_35 : i32
    %convert_element_type3A_37 = arith.extui %eq3A_36 : i1 to i32
    %cond3A_38 = arith.constant 0 : i32
    %cond3A_39 = arith.cmpi ne, %convert_element_type3A_37, %cond3A_38 : i32
    scf.if %cond3A_39 {
      %get3A_40 = arith.constant 0 : index
      %get3A_41 = arith.constant 0 : index
      %get3A_42 = vector.load %arg3[%get3A_40, %get3A_41] : memref<4x4096xf32, #tpu.memory_space<vmem>>, vector<4x4096xf32>
      %swap3A_43 = arith.constant 0 : index
      %swap3A_44 = arith.constant 0 : index
      %swap3A_45 = vector.load %arg2[%swap3A_43, %swap3A_44] : memref<4x4096xf32, #tpu.memory_space<vmem>>, vector<4x4096xf32>
      tpu.vector_store %arg2[%swap3A_43, %swap3A_44], %get3A_42 {strides = array<i32>} : memref<4x4096xf32, #tpu.memory_space<vmem>>, vector<4x4096xf32>,
    } else {
    }
    return
  }
  func.func @transform_0(%arg0: i32) -> (i32, i32) {
    %jit3A = arith.constant 15 : i32
    %div3A = arith.divsi %arg0, %jit3A : i32
    %sign3A = arith.constant 0 : i32
    %sign3A_0 = arith.cmpi sgt, %arg0, %sign3A : i32
    %sign3A_1 = arith.extui %sign3A_0 : i1 to i32
    %sign3A_2 = arith.constant 0 : i32
    %sign3A_3 = arith.cmpi slt, %arg0, %sign3A_2 : i32
    %sign3A_4 = arith.extui %sign3A_3 : i1 to i32
    %sign3A_5 = arith.subi %sign3A_1, %sign3A_4 : i32
    %sign3A_6 = arith.constant 0 : i32
    %sign3A_7 = arith.cmpi sgt, %jit3A, %sign3A_6 : i32
    %sign3A_8 = arith.extui %sign3A_7 : i1 to i32
    %sign3A_9 = arith.constant 0 : i32
    %sign3A_10 = arith.cmpi slt, %jit3A, %sign3A_9 : i32
    %sign3A_11 = arith.extui %sign3A_10 : i1 to i32
    %sign3A_12 = arith.subi %sign3A_8, %sign3A_11 : i32
    %ne3A = arith.cmpi ne, %sign3A_5, %sign3A_12 : i32
    %rem3A = arith.remsi %arg0, %jit3A : i32
    %ne3A_13 = arith.constant 0 : i32
    %ne3A_14 = arith.cmpi ne, %rem3A, %ne3A_13 : i32
    %and3A = arith.andi %ne3A, %ne3A_14 : i1
    %sub3A = arith.constant 1 : i32
    %sub3A_15 = arith.subi %div3A, %sub3A : i32
    %select_n3A = arith.select %and3A, %sub3A_15, %div3A : i32
    %mul3A = arith.constant 16 : i32
    %mul3A_16 = arith.muli %select_n3A, %mul3A : i32
    %jit3A_17 = arith.constant 15 : i32
    %eq3A = arith.constant 0 : i32
    %eq3A_18 = arith.cmpi eq, %jit3A_17, %eq3A : i32
    %jit3A_19 = arith.constant 1 : i32
    %select_n3A_20 = arith.select %eq3A_18, %jit3A_19, %jit3A_17 : i32
    %rem3A_21 = arith.remsi %arg0, %select_n3A_20 : i32
    %ne3A_22 = arith.constant 0 : i32
    %ne3A_23 = arith.cmpi ne, %rem3A_21, %ne3A_22 : i32
    %lt3A = arith.constant 0 : i32
    %lt3A_24 = arith.cmpi slt, %rem3A_21, %lt3A : i32
    %lt3A_25 = arith.constant 0 : i32
    %lt3A_26 = arith.cmpi slt, %select_n3A_20, %lt3A_25 : i32
    %ne3A_27 = arith.xori %lt3A_24, %lt3A_26 : i1
    %and3A_28 = arith.andi %ne3A_27, %ne3A_23 : i1
    %add3A = arith.addi %rem3A_21, %select_n3A_20 : i32
    %select_n3A_29 = arith.select %and3A_28, %add3A, %rem3A_21 : i32
    %add3A_30 = arith.addi %mul3A_16, %select_n3A_29 : i32
    %c0_i32 = arith.constant 0 : i32
    %c0_i32_31 = arith.constant 0 : i32
    return %add3A_30, %c0_i32 : i32, i32
  }
  func.func @transform_1(%arg0: i32) -> (i32, i32) {
    %c0_i32 = arith.constant 0 : i32
    %c0_i32_0 = arith.constant 0 : i32
    %c0_i32_1 = arith.constant 0 : i32
    return %c0_i32, %c0_i32_0 : i32, i32
  }
}

</mosaic_0001>

<sc_bundles>
// kernel: kernel.5.cloned.1.call-start
scs
__scs_entry_jumppad:
0x0: {  	(pc) =	sbr.rel $0x88, $3  }
0x1: {  	(tag) =	ssettag $0x0;
	lr =	simm.s32 $0x1  }
0x2: {  	[smem:$0x3F9E] =	sst lr;
	_ =	strace $0xD0000000  }
0x3: {  	_ = 	snop  }
0x4: {  	_ = 	snop  }
0x5: {  	_ = 	snop  }
0x6: {  	_ = 	snop  }
0x7: {  	_ = 	snop  }
__scs_overlays_trampoline_lowered:
0x8: {  	[smem:$0x3FAD] =	sst s0  }
0x9: {  	[smem:$0x3FAE] =	sst s1  }
0xa: {  	[smem:$0x3FAF] =	sst s2  }
0xb: {  	[smem:$0x3FB0] =	sst s3  }
0xc: {  	[smem:$0x3FB1] =	sst s4  }
0xd: {  	[smem:$0x3FB2] =	sst s5  }
0xe: {  	[smem:$0x3FB3] =	sst s6  }
0xf: {  	[smem:$0x3FB4] =	sst s7  }
0x10: {  	[smem:$0x3FB5] =	sst s8  }
0x11: {  	[smem:$0x3FB6] =	sst s9;
	s0 =	simm.s32 @!p0 $0x0  }
0x12: {  	s1 =	sld [smem:$0x3F9C];
	s0 =	simm.s32 @p0 $0x1  }
0x13: {  	[smem:$0x3FB7] =	sst s0;
	s0 =	simm.s32 @!p1 $0x0  }
0x14: {  	s2 =	sld [smem:$0x3F9B];
	s0 =	simm.s32 @p1 $0x1  }
0x15: {  	[smem:$0x3FB8] =	sst s0;
	s0 =	simm.s32 @!p2 $0x0  }
0x16: {  	s3 =	sld [smem:$0x3FDB];
	s0 =	simm.s32 @p2 $0x1  }
0x17: {  	s4 =	simm.s32 $0x1BF5;
	[smem:$0x3FBA] =	sst s0  }
0x18: {  	s0 =	sld [smem:$0x3F9D];
	_ =	swait.ge [sflag:s4], $0x0  }
0x19: {  	s7 =	sld [smem:$0x3F9E]  }
0x1a: {  	s8 =	sadd.s32 $0xFFFFE003, lr  }
0x1b: {  	s9 =	sadd.s32 $0xFFFFFEF7, lr;
	s5 =	simm.s32 $0xFFFFFFFF;
	p2 =	slt.u32 s8, $0xFFFFF086  }
0x1c: {  	p1 =	slt.u32 s9, $0xF7A;
	s5 =	simm.s32 @!p2 $0x0  }
0x1d: {  	s5 =	simm.s32 @p1 $0x1;
	p0 =	seq.s32 s7, s2  }
0x1e: {  	s7 =	smul.u32 @!p0 $0xF7A, s2;
	p2 =	seq.s32 @!p0 s5, $0x0  }
0x1f: {  	s9 =	smul.u32 $0xF7A, s1;
	s8 =	simm.s32 @!p0 $0x1BF5;
	p2 =	por !p2, p0  }
0x20: {  	[sflag:s8] =	ssyncset.s32 @!p0 $0xFFFFF086;
	s6 =	sadd.s32 @!p0 s3, s7;
	s7 =	simm.s32 @!p0 $0x108  }
0x21: {  	s3 =	sadd.s32 s3, s9;
	s6 =	sadd.s32 @!p0 $0x88, s6;
	s7 =	simm.s32 @p2 $0x1082  }
0x22: {  	[simem:s7], [sflag:s8] =	dma.local @!p0 [hbm:s6], $0xF7A  }
0x23: {  	s9 =	sor.u32 $0xD0000000, s2;
	s6 =	simm.s32 $0x108;
	_ =	swait.ge @!p0 [sflag:s8], $0x0  }
0x24: {  	s3 =	sadd.s32 $0x88, s3;
	s6 =	simm.s32 @!p1 $0x1082;
	[sflag:s4] =	ssyncset.s32 $0xFFFFF086  }
0x25: {  	[simem:s6], [sflag:s4] =	dma.local [hbm:s3], $0xF7A  }
0x26: {  	[smem:$0x3F9E] =	sst s1;
	(tag) =	ssettag s2;
	_ =	strace s9  }
0x27: {  	s1 =	sld [smem:$0x3FAE]  }
0x28: {  	s2 =	sld [smem:$0x3FAF]  }
0x29: {  	s4 =	sld [smem:$0x3FB1]  }
0x2a: {  	p0 =	seq.s32 s5, $0x0;
	s5 =	sld [smem:$0x3FB2]  }
0x2b: {  	s6 =	sld [smem:$0x3FB3]  }
0x2c: {  	s7 =	sld [smem:$0x3FB4]  }
0x2d: {  	s3 =	simm.s32 $0x108;
	s8 =	sld [smem:$0x3FB5]  }
0x2e: {  	s3 =	simm.s32 @!p0 $0x1082;
	s9 =	sld [smem:$0x3FB6]  }
0x2f: {  	lr =	sadd.s32 s0, s3;
	s0 =	sld [smem:$0x3FAD]  }
0x30: {  	s3 =	sld [smem:$0x3FB0]  }
0x31: {  	[smem:$0x3FB9] =	sst s10  }
0x32: {  	s10 =	sld [smem:$0x3FB7];
	_ =	sdelay $0x3  }
0x33: {  	p0 =	seq.s32 s10, $0x1;
	s10 =	sld [smem:$0x3FB9];
	_ =	sdelay $0x3  }
0x34: {  	[smem:$0x3FB9] =	sst s10  }
0x35: {  	s10 =	sld [smem:$0x3FB8];
	_ =	sdelay $0x3  }
0x36: {  	p1 =	seq.s32 s10, $0x1;
	s10 =	sld [smem:$0x3FB9];
	_ =	sdelay $0x3  }
0x37: {  	[smem:$0x3FB9] =	sst s10  }
0x38: {  	s10 =	sld [smem:$0x3FBA]  }
0x39: {  	_ = 	snop;
	(pc) =	sbr.ind lr, $3  }
0x3a: {  	_ = 	snop  }
0x3b: {  	_ = 	snop  }
0x3c: {  	p2 =	seq.s32 s10, $0x1;
	s10 =	sld [smem:$0x3FB9]  }
0x3d: {  	_ =	shalt  }
0x3e: {  	_ =	shalt  }
0x3f: {  	_ =	shalt  }
0x40: {  	_ =	shalt  }
0x41: {  	_ =	shalt  }
0x42: {  	_ =	shalt  }
0x43: {  	_ =	shalt  }
0x44: {  	_ =	shalt  }
0x45: {  	_ =	shalt  }
0x46: {  	_ =	shalt  }
0x47: {  	_ =	shalt  }
0x48: {  	_ =	shalt  }
0x49: {  	_ =	shalt  }
0x4a: {  	_ =	shalt  }
0x4b: {  	_ =	shalt  }
0x4c: {  	_ =	shalt  }
0x4d: {  	_ =	shalt  }
0x4e: {  	_ =	shalt  }
0x4f: {  	_ =	shalt  }
0x50: {  	_ =	shalt  }
0x51: {  	_ =	shalt  }
0x52: {  	_ =	shalt  }
0x53: {  	_ =	shalt  }
0x54: {  	_ =	shalt  }
0x55: {  	_ =	shalt  }
0x56: {  	_ =	shalt  }
0x57: {  	_ =	shalt  }
0x58: {  	_ =	shalt  }
0x59: {  	_ =	shalt  }
0x5a: {  	_ =	shalt  }
0x5b: {  	_ =	shalt  }
0x5c: {  	_ =	shalt  }
0x5d: {  	_ =	shalt  }
0x5e: {  	_ =	shalt  }
0x5f: {  	_ =	shalt  }
0x60: {  	_ =	shalt  }
0x61: {  	_ =	shalt  }
0x62: {  	_ =	shalt  }
0x63: {  	_ =	shalt  }
0x64: {  	_ =	shalt  }
0x65: {  	_ =	shalt  }
0x66: {  	_ =	shalt  }
0x67: {  	_ =	shalt  }
0x68: {  	_ =	shalt  }
0x69: {  	_ =	shalt  }
0x6a: {  	_ =	shalt  }
0x6b: {  	_ =	shalt  }
0x6c: {  	_ =	shalt  }
0x6d: {  	_ =	shalt  }
0x6e: {  	_ =	shalt  }
0x6f: {  	_ =	shalt  }
0x70: {  	_ =	shalt  }
0x71: {  	_ =	shalt  }
0x72: {  	_ =	shalt  }
0x73: {  	_ =	shalt  }
0x74: {  	_ =	shalt  }
0x75: {  	_ =	shalt  }
0x76: {  	_ =	shalt  }
0x77: {  	_ =	shalt  }
0x78: {  	_ =	shalt  }
0x79: {  	_ =	shalt  }
0x7a: {  	_ =	shalt  }
0x7b: {  	_ =	shalt  }
0x7c: {  	_ =	shalt  }
0x7d: {  	_ =	shalt  }
0x7e: {  	_ =	shalt  }
0x7f: {  	_ =	shalt  }
0x80: {  	_ =	shalt  }
0x81: {  	_ =	shalt  }
0x82: {  	_ =	shalt  }
0x83: {  	_ =	shalt  }
0x84: {  	_ =	shalt  }
0x85: {  	_ =	shalt  }
0x86: {  	_ =	shalt  }
0x87: {  	_ =	shalt  }
.Lfunc_end0:
.L_simem_size_0:
called_computation_lowered:
.L_overlay_start_0:
0x88: {  	s2 =	sld [smem:$0x3FD9]  }
0x89: {  	s3 =	sld [smem:$0x3FFE];
	_ =	sdelay $0x1  }
0x8a: {  	s1 =	srdreg.scid  }
0x8b: {  	s0 =	sand.u32 $0x1, s1  }
0x8c: {  	s17 =	sshll.u32 s0, $0xA;
	s2 =	sadd.s32 s3, s2  }
0x8d: {  	s2 =	sadd.s32 s2, s17  }
0x8e: {  	[smem:$0x3FC5] =	sst s2  }
0x8f: {  	_ = 	snop  }
0x90: {  	s2 =	sld [smem:$0x3FC9];
	(tm) =	ssettm $0x1  }
0x91: {  	s18 =	sld [smem:$0x3FFB];
	_ =	sdelay $0x3  }
0x92: {  	_ =	strace s18  }
0x93: {  	s3 =	sld [smem:$0x3FFC];
	_ =	sdelay $0x3  }
0x94: {  	_ =	strace s3  }
0x95: {  	s3 =	sld [smem:$0x3FFD];
	_ =	sdelay $0x3  }
0x96: {  	_ =	strace s3  }
0x97: {  	_ =	strace $0x8FFFFFFF  }
0x98: {  	s19 =	sld [smem:$0x3FDB];
	_ =	sdelay $0x1  }
0x99: {  	s4 =	simm.s32 $_scs_section_size  }
0x9a: {  	s5 =	simm.s32 $_size__tile_overlayer_lowered;
	s6 =	simm.s32 $_tile_overlayer_lowered  }
0x9b: {  	s22 =	simm.s32 $0x1BFF;
	s21 =	sshll.u32 s6, $0x1;
	s3 =	sadd.s32 s4, s19  }
0x9c: {  	s7 =	simm.s32 $0x0;
	s20 =	sshll.u32 s5, $0x1;
	s5 =	sadd.s32 s21, s3  }
0x9d: {  	[timem:s7], [sflag:s22] =	dma.local [hbm:s5], s20  }
0x9e: {  	_ =	swait.ge [sflag:s22], s20  }
0x9f: {  	s4 =	ssub.s32 $0x0, s20;
	[sflag:s22] =	ssyncset.done $0x0  }
0xa0: {  	[sflag:s22] =	ssyncadd.s32 s4;
	_ =	sdelay $0x1  }
0xa1: {  	s23 =	simm.s32 $0x1B8B  }
0xa2: {  	_ =	swait.ge [sflag:s23], $0x1  }
0xa3: {  	[sflag:s23] =	ssyncset.done $0x0  }
0xa4: {  	s25 =	simm.s32 $0x1B8E;
	s24 =	sld [smem:$0x3FFE];
	[sflag:s23] =	ssyncadd.s32 $0xFFFFFFFF  }
0xa5: {  	s26 =	simm.s32 $execute0_lowered;
	[smem:$0x3FD2] =	sst s25  }
0xa6: {  	s5 =	sshll.u32 s26, $0x1;
	_ =	strace $0x80000046;
	[dreg:$0x1] =	wrdreg $0xFFFFFFFF  }
0xa7: {  	s28 =	simm.s32 $_size_execute0_lowered;
	s3 =	sadd.s32 s3, s5;
	[dreg:$0x0] =	wrdreg $0x0  }
0xa8: {  	s5 =	sshll.u32 s28, $0x1;
	[dreg:$0x2] =	wrdreg s3  }
0xa9: {  	[dreg:$0x3] =	wrdreg s5  }
0xaa: {  	[dreg:$0x4] =	wrdreg $0xC0  }
0xab: {  	_ =	task [dreg:s7], $0x5FFFF  }
0xac: {  	[dreg:$0x1] =	wrdreg $0xFFFFFFFF  }
0xad: {  	[dreg:$0x0] =	wrdreg $0x60  }
0xae: {  	[dreg:$0x2] =	wrdreg s2  }
0xaf: {  	[dreg:$0x3] =	wrdreg s24  }
0xb0: {  	[dreg:$0x4] =	wrdreg $0x9  }
0xb1: {  	_ =	task.clear_ibuf [dreg:s7], $0x5FFFF;
	_ =	strace $0x90000046  }
0xb2: {  	s29 =	simm.s32 $0x9;
	_ =	strace $0x80000048  }
0xb3: {  	_ =	swait.ge [sflag:s29], $0x1  }
0xb4: {  	[sflag:s29] =	ssyncadd.s32 $0xFFFFFFFF  }
0xb5: {  	_ =	strace $0x90000048  }
0xb6: {  	_ =	sfence  }
0xb7: {  	s30 =	sld [smem:$0x0];
	_ =	sdelay $0x2  }
0xb8: {  	s31 =	sshll.u32 s1, $0xD;
	s1 =	sshrl.u32 s1, $0x2  }
0xb9: {  	s3 =	sand.u32 $0x4000, s31;
	s1 =	sadd.s32 s1, s30  }
0xba: {  	s0 =	sor.u32 s3, s0;
	s1 =	sshll.u32 s1, $0x11  }
0xbb: {  	s0 =	sor.u32 s1, s0  }
0xbc: {  	s0 =	sadd.s32 $0x8F2B, s0  }
0xbd: {  	[sflag:s0] =	ssyncadd.remote.s32 $0x1  }
0xbe: {  	_ =	sfence.sel $0xFFFF  }
0xbf: {  	[dreg:$0x0] =	wrdreg $0xFFFFFFFF;
	(pc) =	sbr.abs _section_cstart, $3  }
0xc0: {  	[dreg:$0x1] =	wrdreg $0xFFFFFFFF  }
0xc1: {  	_ =	task.clear_ibuf [dreg:s7], $0x2FFFF;
	_ =	strace $0x9FFFFFFF  }
0xc2: {  	(tm) =	ssettm $0x7FFFFFFF  }
0xc3: {  	_ =	shalt  }
tec
execute0_lowered:
.L_overlay_start_1:
0x0: {  	(tag) =	ssettag $0x1  }
0x1: {  	s2 =	rddreg [dreg:$0x0]  }
0x2: {  	s0 =	rddreg [dreg:$0x1]  }
0x3: {  	s7 =	stileid.u32;
	s1 =	srdreg.scid;
	s3 =	simm.s32 $0x0  }
0x4: {  	s10 =	simm.s32 $0x8000;
	s11 =	simm.s32 $0x1;
	s12 =	simm.s32 $0x2  }
0x5: {  	s17 =	simm.s32 $0x0;
	s18 =	simm.s32 $0x0;
	s1 =	sand.u32 $0x1, s1  }
0x6: {  	s4 =	sshll.u32 s7, $0x1;
	[smem:$0x7FF] =	sst s3;
	s5 =	sshll.u32 s7, $0xB  }
0x7: {  	s7 =	sshll.u32 s7, $0xA;
	s4 =	sor.u32 s1, s4;
	_ =	strace $0x80000047  }
0x8: {  	s1 =	ssub.s32 $0x2, s1;
	s22 =	sand.u32 $0x3000, s7;
	s6 =	sshll.u32 s4, $0x6  }
0x9: {  	s23 =	sshrl.u32 s1, $0x1;
	s0 =	sadd.s32 s22, s0;
	s8 =	sshll.u32 s4, $0x4  }
0xa: {  	s5 =	sor.u32 s5, s6;
	s1 =	ssub.s32 s1, s23;
	s28 =	sand.u32 $0x70, s8  }
0xb: {  	s5 =	sand.u32 $0x61C0, s5;
	s0 =	sadd.s32 s28, s0;
	s31 =	smax.u32 s1, $0x1  }
.Ltmp0:
0xc: {  	s24 =	sor.u32 $0x1E00, s5;
	s5 =	sshll.u32 s5, $0x9;
	(pc) =	sbr.rel .LBB2_1-.Ltmp0, $4  }
0xd: {  	s0 =	sadd.s32 $0xA00, s0;
	[dreg:$0x6] =	wrdreg s31;
	s25 =	sshll.u32 s24, $0x9  }
0xe: {  	s5 =	sadd.s32 s5, s2;
	[dreg:$0x5] =	wrdreg s0;
	s26 =	sadd.s32 s2, s25  }
0xf: {  	s30 =	sshrl.u32 s24, $0x3;
	s29 =	sadd.s32 $0x3C1000, s5;
	[dreg:$0x3] =	wrdreg s26  }
0x10: {  	v0 =	vimm.f32 $0.0e+00;
	s6 =	sor.u32 $0x2, s30;
	s7 =	sor.u32 $0x3, s30;
	[dreg:$0x4] =	wrdreg s29  }
.LBB2_10:
0x11: {  	s0 =	rddreg [dreg:$0x5];
	s1 =	simm.s32 $0x80  }
0x12: {  	s4 =	simm.s32 $0x400;
	s5 =	simm.s32 $0x10000;
	s30 =	simm.s32 $0x3  }
0x13: {  	[hbm4b:s0+s1] =	stream.strided.scatter [tilespmem:s5], [sflag:$0x3], $0x1000, s4, s1, $0x38;
	[tilespmem:$0x11000] =	vst v63  }
0x14: {  	_ =	swait.ge [sflag:s30], $0x1000  }
0x15: {  	s17 =	sadd.s32 $0x1, s17;
	s31 =	rddreg [dreg:$0x6]  }
0x16: {  	p0 =	sne.s32 s17, s31  }
.Ltmp1:
0x17: {  	_ = 	snop;
	(pc) =	sbr.rel @!p0 .LBB2_11-.Ltmp1, $3  }
0x18: {  	_ =	sdelay $0x1  }
0x19: {  	[sflag:s30] =	ssyncset.done $0x0  }
0x1a: {  	[sflag:s30] =	ssyncadd.s32 $0xFFFFF000  }
.LBB2_1:
0x1b: {  	s0 =	simm.s32 $0x40;
	s1 =	simm.s32 $0x0  }
.LBB2_2:
0x1c: {  	p0 =	sne.s32 s0, $0x3FC0;
	[tilespmem:s1+$0x10000] =	vst v0;
	s1 =	smov.u32 s0;
	s0 =	sadd.s32 $0x40, s0  }
.Ltmp2:
0x1d: {  	(pc) =	sbr.rel @p0 .LBB2_2-.Ltmp2, $2  }
0x1e: {  	_ =	sdelay $0x2  }
0x1f: {  	s1 =	sshra.s32 s1, $0x2  }
0x20: {  	[tilespmem:s1+$0x10000] =	vst v0;
	s0 =	rddreg [dreg:$0x3]  }
0x21: {  	[tilespmem:s18], [sflag:$0x1] =	stream.linear.gather [hbm4b:s0+s18], $0x8000, $0x38;
	[tilespmem:$0x11000] =	vst v63  }
0x22: {  	s31 =	rddreg [dreg:$0x4];
	s19 =	simm.s32 $0x0  }
0x23: {  	[tilespmem:s10], [sflag:$0x2] =	stream.linear.gather [hbm4b:s31+s18], $0x8000, $0x38;
	[tilespmem:$0x11000] =	vst v63  }
.LBB2_4:
0x24: {  	_ =	swait.ge [sflag:s11], $0x8000  }
0x25: {  	s20 =	sand.u32 $0x40, s18;
	s1 =	sand.u32 $0x7C00, s18;
	[sflag:s11] =	ssyncset.done $0x0  }
0x26: {  	s0 =	sor.u32 s20, s1;
	[sflag:s11] =	ssyncadd.s32 $0xFFFF8000  }
0x27: {  	v1 =	vld [tilespmem:s0+$0x380]  }
0x28: {  	v2 =	vld [tilespmem:s0+$0x180]  }
0x29: {  	v3 =	vld [tilespmem:s0+$0x80]  }
0x2a: {  	v4 =	vld [tilespmem:s0+$0x100]  }
0x2b: {  	v5 =	vld [tilespmem:s0+$0x280]  }
0x2c: {  	v6 =	vld [tilespmem:s0+$0x300]  }
0x2d: {  	v7 =	vld [tilespmem:s0+$0x200]  }
0x2e: {  	v8 =	vld [tilespmem:s0+$0x0];
	_ =	sdelay $0x3  }
0x2f: {  	v2 =	vadd.f32 v2, v4;
	v1 =	vadd.f32 v1, v6  }
0x30: {  	s0 =	simm.s32 $0x10000;
	v4 =	vadd.f32 v5, v7;
	v3 =	vadd.f32 v3, v8  }
0x31: {  	v5 =	vld [tilespmem:s0+$0x0]  }
0x32: {  	v2 =	vadd.f32 v2, v3;
	v1 =	vadd.f32 v1, v4;
	_ =	sdelay $0x1  }
0x33: {  	v1 =	vadd.f32 v1, v2;
	_ =	sdelay $0x1  }
0x34: {  	v1 =	vadd.f32 v1, v5  }
0x35: {  	s14 =	sor.u32 $0x10, s20  }
0x36: {  	s13 =	sor.u32 s14, s1;
	[tilespmem:s0+$0x0] =	vst v1  }
0x37: {  	v1 =	vld [tilespmem:s13+$0x380]  }
0x38: {  	v2 =	vld [tilespmem:s13+$0x280]  }
0x39: {  	v3 =	vld [tilespmem:s13+$0x80]  }
0x3a: {  	v4 =	vld [tilespmem:s13+$0x300]  }
0x3b: {  	v5 =	vld [tilespmem:s13+$0x200]  }
0x3c: {  	v6 =	vld [tilespmem:s13+$0x180]  }
0x3d: {  	v7 =	vld [tilespmem:s13+$0x100]  }
0x3e: {  	v63 =	vld [tilespmem:s13+$0x0];
	_ =	sdelay $0x2  }
0x3f: {  	s30 =	sand.u32 $0xF80, s18  }
0x40: {  	s13 =	sor.u32 $0x10000, s30;
	v2 =	vadd.f32 v2, v5;
	v1 =	vadd.f32 v1, v4  }
0x41: {  	s14 =	sor.u32 s14, s13;
	v4 =	vadd.f32 v6, v7;
	v3 =	vadd.f32 v3, v63  }
0x42: {  	v5 =	vld [tilespmem:s14+$0x0]  }
0x43: {  	v1 =	vadd.f32 v1, v2;
	v2 =	vadd.f32 v4, v3;
	_ =	sdelay $0x1  }
0x44: {  	v1 =	vadd.f32 v1, v2;
	_ =	sdelay $0x1  }
0x45: {  	v1 =	vadd.f32 v1, v5  }
0x46: {  	s15 =	sor.u32 $0x20, s20  }
0x47: {  	s31 =	sor.u32 s15, s1;
	[tilespmem:s14+$0x0] =	vst v1  }
0x48: {  	v2 =	vld [tilespmem:s31+$0x80]  }
0x49: {  	v3 =	vld [tilespmem:s31+$0x100]  }
0x4a: {  	v4 =	vld [tilespmem:s31+$0x0]  }
0x4b: {  	v5 =	vld [tilespmem:s31+$0x180];
	_ =	sdelay $0x2  }
0x4c: {  	v1 =	vld [tilespmem:s31+$0x300]  }
0x4d: {  	v6 =	vadd.f32 v2, v4;
	v2 =	vld [tilespmem:s31+$0x380]  }
0x4e: {  	v3 =	vadd.f32 v5, v3;
	v4 =	vld [tilespmem:s31+$0x280]  }
0x4f: {  	v5 =	vld [tilespmem:s31+$0x200]  }
0x50: {  	s21 =	simm.s32 $0x40;
	s22 =	simm.s32 $0x0;
	v3 =	vadd.f32 v3, v6  }
.LBB2_5:
0x51: {  	_ = 	snop  }
0x52: {  	p0 =	sne.s32 s21, $0xFC0;
	s22 =	sadd.s32 $0x200, s22;
	s0 =	sadd.s32 $0x40, s0  }
0x53: {  	s14 =	smov.u32 s21;
	s21 =	sadd.s32 $0x40, s21  }
0x54: {  	s15 =	sor.u32 s15, s13;
	v1 =	vadd.f32 v2, v1;
	v4 =	vadd.f32 v4, v5  }
0x55: {  	v2 =	vld [tilespmem:s15+$0x0]  }
0x56: {  	v1 =	vadd.f32 v1, v4;
	_ =	sdelay $0x1  }
0x57: {  	v1 =	vadd.f32 v1, v3;
	_ =	sdelay $0x1  }
0x58: {  	v1 =	vadd.f32 v1, v2  }
0x59: {  	s20 =	sor.u32 $0x30, s20  }
0x5a: {  	s1 =	sor.u32 s20, s1;
	[tilespmem:s15+$0x0] =	vst v1  }
0x5b: {  	v1 =	vld [tilespmem:s1+$0x0]  }
0x5c: {  	v2 =	vld [tilespmem:s1+$0x180]  }
0x5d: {  	v3 =	vld [tilespmem:s1+$0x280]  }
0x5e: {  	v4 =	vld [tilespmem:s1+$0x380]  }
0x5f: {  	v5 =	vld [tilespmem:s1+$0x300]  }
0x60: {  	v6 =	vld [tilespmem:s1+$0x200]  }
0x61: {  	v7 =	vld [tilespmem:s1+$0x100]  }
0x62: {  	s13 =	sor.u32 s20, s13;
	v8 =	vld [tilespmem:s1+$0x80]  }
0x63: {  	v9 =	vld [tilespmem:s13+$0x0]  }
0x64: {  	v4 =	vadd.f32 v4, v5  }
0x65: {  	v3 =	vadd.f32 v3, v6  }
0x66: {  	v2 =	vadd.f32 v2, v7  }
0x67: {  	v1 =	vadd.f32 v8, v1;
	v3 =	vadd.f32 v4, v3;
	_ =	sdelay $0x1  }
0x68: {  	v1 =	vadd.f32 v2, v1;
	_ =	sdelay $0x1  }
0x69: {  	v1 =	vadd.f32 v3, v1;
	_ =	sdelay $0x1  }
0x6a: {  	v1 =	vadd.f32 v1, v9  }
0x6b: {  	s20 =	sand.u32 $0x40, s14;
	s1 =	sand.u32 $0x7C00, s22  }
0x6c: {  	s15 =	sor.u32 s20, s1;
	[tilespmem:s13+$0x0] =	vst v1  }
0x6d: {  	v1 =	vld [tilespmem:s15+$0x380]  }
0x6e: {  	v2 =	vld [tilespmem:s15+$0x180]  }
0x6f: {  	v3 =	vld [tilespmem:s15+$0x80]  }
0x70: {  	v4 =	vld [tilespmem:s15+$0x100]  }
0x71: {  	v5 =	vld [tilespmem:s15+$0x280]  }
0x72: {  	v6 =	vld [tilespmem:s15+$0x300]  }
0x73: {  	v7 =	vld [tilespmem:s15+$0x200]  }
0x74: {  	v8 =	vld [tilespmem:s15+$0x0];
	_ =	sdelay $0x2  }
0x75: {  	v2 =	vadd.f32 v2, v4;
	v1 =	vadd.f32 v1, v6  }
0x76: {  	v4 =	vadd.f32 v5, v7  }
0x77: {  	v3 =	vadd.f32 v3, v8  }
0x78: {  	v5 =	vld [tilespmem:s0+$0x0]  }
0x79: {  	v1 =	vadd.f32 v1, v4;
	v2 =	vadd.f32 v2, v3;
	_ =	sdelay $0x1  }
0x7a: {  	v1 =	vadd.f32 v1, v2;
	_ =	sdelay $0x1  }
0x7b: {  	v1 =	vadd.f32 v1, v5  }
0x7c: {  	s15 =	sor.u32 $0x10, s20  }
0x7d: {  	s13 =	sor.u32 s15, s1;
	[tilespmem:s0+$0x0] =	vst v1  }
0x7e: {  	v1 =	vld [tilespmem:s13+$0x380]  }
0x7f: {  	v2 =	vld [tilespmem:s13+$0x280]  }
0x80: {  	v3 =	vld [tilespmem:s13+$0x80]  }
0x81: {  	v4 =	vld [tilespmem:s13+$0x300]  }
0x82: {  	v5 =	vld [tilespmem:s13+$0x200]  }
0x83: {  	v6 =	vld [tilespmem:s13+$0x180]  }
0x84: {  	v7 =	vld [tilespmem:s13+$0x100]  }
0x85: {  	v8 =	vld [tilespmem:s13+$0x0];
	_ =	sdelay $0x1  }
0x86: {  	v1 =	vadd.f32 v1, v4;
	v2 =	vadd.f32 v2, v5  }
0x87: {  	s13 =	sand.u32 $0xF80, s14  }
0x88: {  	s13 =	sor.u32 $0x10000, s13;
	v4 =	vadd.f32 v6, v7;
	v1 =	vadd.f32 v1, v2  }
0x89: {  	s14 =	sor.u32 s15, s13;
	v2 =	vadd.f32 v3, v8  }
0x8a: {  	v3 =	vld [tilespmem:s14+$0x0]  }
0x8b: {  	v2 =	vadd.f32 v4, v2;
	_ =	sdelay $0x1  }
0x8c: {  	v1 =	vadd.f32 v1, v2;
	_ =	sdelay $0x1  }
0x8d: {  	v1 =	vadd.f32 v1, v3  }
0x8e: {  	s15 =	sor.u32 $0x20, s20  }
0x8f: {  	[tilespmem:s14+$0x0] =	vst v1;
	s14 =	sor.u32 s15, s1  }
0x90: {  	v1 =	vld [tilespmem:s14+$0x300]  }
0x91: {  	v2 =	vld [tilespmem:s14+$0x80]  }
0x92: {  	v3 =	vld [tilespmem:s14+$0x100]  }
0x93: {  	v4 =	vld [tilespmem:s14+$0x0]  }
0x94: {  	v5 =	vld [tilespmem:s14+$0x180];
	_ =	sdelay $0x2  }
.Ltmp3:
0x95: {  	(pc) =	sbr.rel @p0 .LBB2_5-.Ltmp3, $4  }
0x96: {  	v6 =	vadd.f32 v2, v4;
	v2 =	vld [tilespmem:s14+$0x380]  }
0x97: {  	v3 =	vadd.f32 v5, v3;
	v4 =	vld [tilespmem:s14+$0x280]  }
0x98: {  	v5 =	vld [tilespmem:s14+$0x200]  }
0x99: {  	v3 =	vadd.f32 v3, v6  }
0x9a: {  	_ =	sdelay $0x2  }
0x9b: {  	s0 =	sor.u32 s15, s13;
	v1 =	vadd.f32 v2, v1;
	v4 =	vadd.f32 v4, v5  }
0x9c: {  	v2 =	vld [tilespmem:s0+$0x0]  }
0x9d: {  	v1 =	vadd.f32 v1, v4;
	_ =	sdelay $0x1  }
0x9e: {  	v1 =	vadd.f32 v1, v3;
	_ =	sdelay $0x1  }
0x9f: {  	v1 =	vadd.f32 v1, v2  }
0xa0: {  	s14 =	sor.u32 $0x30, s20  }
0xa1: {  	s5 =	sor.u32 s14, s1;
	[tilespmem:s0+$0x0] =	vst v1  }
0xa2: {  	v1 =	vld [tilespmem:s5+$0x0]  }
0xa3: {  	v2 =	vld [tilespmem:s5+$0x180]  }
0xa4: {  	v3 =	vld [tilespmem:s5+$0x280]  }
0xa5: {  	v4 =	vld [tilespmem:s5+$0x380]  }
0xa6: {  	v5 =	vld [tilespmem:s5+$0x300]  }
0xa7: {  	v6 =	vld [tilespmem:s5+$0x200]  }
0xa8: {  	v7 =	vld [tilespmem:s5+$0x100]  }
0xa9: {  	v8 =	vld [tilespmem:s5+$0x80];
	_ =	sdelay $0x3  }
0xaa: {  	v4 =	vadd.f32 v4, v5;
	v3 =	vadd.f32 v3, v6  }
0xab: {  	s8 =	sor.u32 s14, s13;
	v2 =	vadd.f32 v2, v7;
	v1 =	vadd.f32 v8, v1  }
0xac: {  	v5 =	vld [tilespmem:s8+$0x0]  }
0xad: {  	v3 =	vadd.f32 v4, v3;
	v1 =	vadd.f32 v2, v1;
	_ =	sdelay $0x1  }
0xae: {  	s20 =	sshll.u32 s19, $0x1;
	p0 =	seq.s32 s19, $0x3;
	v1 =	vadd.f32 v3, v1  }
0xaf: {  	s1 =	sadd.s32 @!p0 s20, s6  }
0xb0: {  	s1 =	sshll.u32 @!p0 s1, $0xC;
	v1 =	vadd.f32 v1, v5  }
0xb1: {  	s1 =	sand.u32 @!p0 $0x1FFFE000, s1  }
0xb2: {  	s21 =	simm.s32 $0x0;
	s0 =	sadd.s32 @!p0 s2, s1;
	s1 =	simm.s32 @!p0 $0x0;
	[tilespmem:s8+$0x0] =	vst v1  }
0xb3: {  	[tilespmem:s1], [sflag:$0x1] =	stream.linear.gather @!p0 [hbm4b:s0+s1], $0x8000, $0x38;
	[tilespmem:$0x11000] =	vst v63  }
0xb4: {  	s9 =	sand.u32 $0x7C00, s21;
	_ =	swait.ge [sflag:s12], $0x8000  }
0xb5: {  	s25 =	sand.u32 $0x40, s21;
	s24 =	sor.u32 $0x8180, s9;
	[sflag:s12] =	ssyncset.done $0x0  }
0xb6: {  	s22 =	sor.u32 $0x8380, s9;
	s14 =	sor.u32 s25, s24;
	[sflag:s12] =	ssyncadd.s32 $0xFFFF8000  }
0xb7: {  	s26 =	sor.u32 $0x8300, s9;
	s15 =	sor.u32 s25, s22;
	v1 =	vld [tilespmem:s14+$0x0]  }
0xb8: {  	s29 =	sor.u32 $0x8000, s9;
	s16 =	sor.u32 s25, s26;
	v2 =	vld [tilespmem:s15+$0x0]  }
0xb9: {  	s30 =	sor.u32 $0x8080, s9;
	s23 =	sor.u32 s25, s29;
	v3 =	vld [tilespmem:s16+$0x0]  }
0xba: {  	s31 =	sor.u32 $0x8100, s9;
	s4 =	sor.u32 s25, s30;
	v4 =	vld [tilespmem:s23+$0x0]  }
0xbb: {  	s28 =	sor.u32 $0x8200, s9;
	s5 =	sor.u32 s25, s31;
	v5 =	vld [tilespmem:s4+$0x0]  }
0xbc: {  	s8 =	sor.u32 s25, s28;
	s0 =	sor.u32 $0x8280, s9;
	v6 =	vld [tilespmem:s5+$0x0]  }
0xbd: {  	s9 =	sor.u32 s25, s0;
	v7 =	vld [tilespmem:s8+$0x0]  }
0xbe: {  	v8 =	vld [tilespmem:s9+$0x0];
	_ =	sdelay $0x3  }
0xbf: {  	v4 =	vadd.f32 v5, v4;
	v1 =	vadd.f32 v1, v6  }
0xc0: {  	s23 =	simm.s32 $0x10000;
	v5 =	vadd.f32 v8, v7;
	v2 =	vadd.f32 v2, v3  }
0xc1: {  	v3 =	vld [tilespmem:s23+$0x0]  }
0xc2: {  	v1 =	vadd.f32 v1, v4;
	v2 =	vadd.f32 v2, v5;
	_ =	sdelay $0x1  }
0xc3: {  	v1 =	vadd.f32 v2, v1;
	_ =	sdelay $0x1  }
0xc4: {  	v1 =	vadd.f32 v1, v3  }
0xc5: {  	s1 =	sor.u32 $0x10, s25  }
0xc6: {  	s14 =	sor.u32 s1, s29;
	[tilespmem:s23+$0x0] =	vst v1  }
0xc7: {  	s15 =	sor.u32 s1, s24;
	v1 =	vld [tilespmem:s14+$0x0]  }
0xc8: {  	s16 =	sor.u32 s1, s26;
	v2 =	vld [tilespmem:s15+$0x0]  }
0xc9: {  	s4 =	sor.u32 s1, s22;
	v3 =	vld [tilespmem:s16+$0x0]  }
0xca: {  	s5 =	sor.u32 s1, s0;
	v4 =	vld [tilespmem:s4+$0x0]  }
0xcb: {  	s8 =	sor.u32 s1, s31;
	v5 =	vld [tilespmem:s5+$0x0]  }
0xcc: {  	s9 =	sor.u32 s1, s30;
	v6 =	vld [tilespmem:s8+$0x0]  }
0xcd: {  	v7 =	vld [tilespmem:s9+$0x0];
	s14 =	sor.u32 s1, s28  }
0xce: {  	v8 =	vld [tilespmem:s14+$0x0];
	_ =	sdelay $0x2  }
0xcf: {  	s15 =	sand.u32 $0xF80, s21  }
0xd0: {  	s13 =	sor.u32 $0x10000, s15;
	v2 =	vadd.f32 v2, v6;
	v1 =	vadd.f32 v7, v1  }
0xd1: {  	s1 =	sor.u32 s1, s13;
	v3 =	vadd.f32 v4, v3;
	v5 =	vadd.f32 v5, v8  }
0xd2: {  	v4 =	vld [tilespmem:s1+$0x0]  }
0xd3: {  	v1 =	vadd.f32 v2, v1;
	v2 =	vadd.f32 v3, v5;
	_ =	sdelay $0x1  }
0xd4: {  	v1 =	vadd.f32 v2, v1;
	_ =	sdelay $0x1  }
0xd5: {  	v1 =	vadd.f32 v1, v4  }
0xd6: {  	s15 =	sor.u32 $0x20, s25  }
0xd7: {  	s16 =	sor.u32 s15, s26;
	[tilespmem:s1+$0x0] =	vst v1  }
0xd8: {  	s4 =	sor.u32 s15, s30;
	v5 =	vld [tilespmem:s16+$0x0]  }
0xd9: {  	s5 =	sor.u32 s15, s22;
	v1 =	vld [tilespmem:s4+$0x0]  }
0xda: {  	s8 =	sor.u32 s15, s0;
	v8 =	vld [tilespmem:s5+$0x0]  }
0xdb: {  	s9 =	sor.u32 s15, s24;
	v2 =	vld [tilespmem:s8+$0x0]  }
0xdc: {  	s14 =	sor.u32 s15, s28;
	v3 =	vld [tilespmem:s9+$0x0]  }
0xdd: {  	s16 =	sor.u32 s15, s31;
	v4 =	vld [tilespmem:s14+$0x0]  }
0xde: {  	s4 =	sor.u32 s15, s29;
	v7 =	vld [tilespmem:s16+$0x0]  }
0xdf: {  	v6 =	vld [tilespmem:s4+$0x0]  }
0xe0: {  	s1 =	simm.s32 $0x40;
	v5 =	vadd.f32 v8, v5  }
.LBB2_7:
0xe1: {  	_ = 	snop  }
0xe2: {  	p1 =	sne.s32 s1, $0xFC0;
	s21 =	sadd.s32 $0x200, s21;
	s23 =	sadd.s32 $0x40, s23  }
0xe3: {  	s14 =	smov.u32 s1;
	s1 =	sadd.s32 $0x40, s1;
	v2 =	vadd.f32 v2, v4;
	v3 =	vadd.f32 v3, v7  }
0xe4: {  	s4 =	sor.u32 s15, s13;
	v1 =	vadd.f32 v1, v6  }
0xe5: {  	v2 =	vadd.f32 v5, v2;
	v4 =	vld [tilespmem:s4+$0x0]  }
0xe6: {  	v1 =	vadd.f32 v3, v1;
	_ =	sdelay $0x1  }
0xe7: {  	v1 =	vadd.f32 v2, v1;
	_ =	sdelay $0x1  }
0xe8: {  	v1 =	vadd.f32 v1, v4  }
0xe9: {  	s15 =	sor.u32 $0x30, s25  }
0xea: {  	s25 =	sor.u32 s15, s30;
	s24 =	sor.u32 s15, s24;
	[tilespmem:s4+$0x0] =	vst v1;
	s4 =	sor.u32 s15, s29  }
0xeb: {  	s0 =	sor.u32 s15, s0;
	s22 =	sor.u32 s15, s22;
	v1 =	vld [tilespmem:s4+$0x0];
	s4 =	sor.u32 s15, s26  }
0xec: {  	s26 =	sor.u32 s15, s28;
	v2 =	vld [tilespmem:s25+$0x0];
	s25 =	sor.u32 s15, s31  }
0xed: {  	v3 =	vld [tilespmem:s25+$0x0]  }
0xee: {  	v4 =	vld [tilespmem:s24+$0x0]  }
0xef: {  	v5 =	vld [tilespmem:s22+$0x0]  }
0xf0: {  	v6 =	vld [tilespmem:s0+$0x0]  }
0xf1: {  	v1 =	vadd.f32 v2, v1;
	v2 =	vld [tilespmem:s4+$0x0]  }
0xf2: {  	s4 =	sor.u32 s15, s13;
	v7 =	vld [tilespmem:s26+$0x0]  }
0xf3: {  	v3 =	vadd.f32 v4, v3;
	v4 =	vld [tilespmem:s4+$0x0];
	_ =	sdelay $0x2  }
0xf4: {  	v1 =	vadd.f32 v3, v1  }
0xf5: {  	v2 =	vadd.f32 v5, v2;
	v3 =	vadd.f32 v6, v7;
	_ =	sdelay $0x1  }
0xf6: {  	v2 =	vadd.f32 v2, v3;
	_ =	sdelay $0x1  }
0xf7: {  	s25 =	sand.u32 $0x40, s14;
	s13 =	sand.u32 $0x7C00, s21;
	v1 =	vadd.f32 v2, v1  }
0xf8: {  	s29 =	sor.u32 $0x8000, s13;
	s30 =	sor.u32 $0x8080, s13;
	s22 =	sor.u32 $0x8380, s13  }
0xf9: {  	s24 =	sor.u32 $0x8180, s13;
	s15 =	sor.u32 s25, s29;
	s5 =	sor.u32 s25, s30;
	v1 =	vadd.f32 v1, v4  }
0xfa: {  	s0 =	sor.u32 $0x8280, s13;
	s8 =	sor.u32 s25, s24;
	s9 =	sor.u32 s25, s22  }
0xfb: {  	s31 =	sor.u32 $0x8100, s13;
	s28 =	sor.u32 $0x8200, s13;
	s26 =	sor.u32 $0x8300, s13;
	[tilespmem:s4+$0x0] =	vst v1  }
0xfc: {  	s13 =	sor.u32 s25, s0;
	s4 =	sor.u32 s25, s31;
	v1 =	vld [tilespmem:s8+$0x0];
	s8 =	sor.u32 s25, s28  }
0xfd: {  	s16 =	sor.u32 s25, s26;
	v2 =	vld [tilespmem:s9+$0x0]  }
0xfe: {  	v3 =	vld [tilespmem:s16+$0x0]  }
0xff: {  	v4 =	vld [tilespmem:s15+$0x0]  }
0x100: {  	v5 =	vld [tilespmem:s5+$0x0]  }
0x101: {  	v6 =	vld [tilespmem:s4+$0x0]  }
0x102: {  	v7 =	vld [tilespmem:s8+$0x0]  }
0x103: {  	v8 =	vld [tilespmem:s13+$0x0];
	_ =	sdelay $0x1  }
0x104: {  	v4 =	vadd.f32 v5, v4;
	_ =	sdelay $0x1  }
0x105: {  	v1 =	vadd.f32 v1, v6  }
0x106: {  	v2 =	vadd.f32 v2, v3;
	v5 =	vadd.f32 v8, v7;
	v3 =	vld [tilespmem:s23+$0x0];
	_ =	sdelay $0x1  }
0x107: {  	v1 =	vadd.f32 v1, v4;
	v2 =	vadd.f32 v2, v5;
	_ =	sdelay $0x1  }
0x108: {  	v1 =	vadd.f32 v2, v1;
	_ =	sdelay $0x1  }
0x109: {  	v1 =	vadd.f32 v1, v3  }
0x10a: {  	s4 =	sor.u32 $0x10, s25  }
0x10b: {  	s5 =	sor.u32 s4, s29;
	s8 =	sor.u32 s4, s31;
	[tilespmem:s23+$0x0] =	vst v1  }
0x10c: {  	v1 =	vld [tilespmem:s5+$0x0];
	s5 =	sor.u32 s4, s24  }
0x10d: {  	v2 =	vld [tilespmem:s5+$0x0]  }
0x10e: {  	s5 =	sor.u32 s4, s26  }
0x10f: {  	v3 =	vld [tilespmem:s5+$0x0];
	s5 =	sor.u32 s4, s22  }
0x110: {  	s9 =	sor.u32 s4, s0;
	v4 =	vld [tilespmem:s5+$0x0]  }
0x111: {  	v5 =	vld [tilespmem:s9+$0x0]  }
0x112: {  	s5 =	sor.u32 s4, s30;
	v6 =	vld [tilespmem:s8+$0x0]  }
0x113: {  	v7 =	vld [tilespmem:s5+$0x0];
	s5 =	sor.u32 s4, s28  }
0x114: {  	v8 =	vld [tilespmem:s5+$0x0];
	_ =	sdelay $0x2  }
0x115: {  	s5 =	sand.u32 $0xF80, s14;
	v2 =	vadd.f32 v2, v6  }
0x116: {  	s13 =	sor.u32 $0x10000, s5;
	v1 =	vadd.f32 v7, v1  }
0x117: {  	v3 =	vadd.f32 v4, v3;
	s4 =	sor.u32 s4, s13;
	v5 =	vadd.f32 v5, v8  }
0x118: {  	v4 =	vld [tilespmem:s4+$0x0]  }
0x119: {  	v1 =	vadd.f32 v2, v1;
	v2 =	vadd.f32 v3, v5;
	_ =	sdelay $0x1  }
0x11a: {  	v1 =	vadd.f32 v2, v1;
	_ =	sdelay $0x1  }
0x11b: {  	v1 =	vadd.f32 v1, v4  }
0x11c: {  	s15 =	sor.u32 $0x20, s25  }
0x11d: {  	[tilespmem:s4+$0x0] =	vst v1;
	s4 =	sor.u32 s15, s26  }
0x11e: {  	s5 =	sor.u32 s15, s30;
	v5 =	vld [tilespmem:s4+$0x0]  }
0x11f: {  	s4 =	sor.u32 s15, s0;
	v1 =	vld [tilespmem:s5+$0x0]  }
0x120: {  	v2 =	vld [tilespmem:s4+$0x0];
	s4 =	sor.u32 s15, s22  }
0x121: {  	s5 =	sor.u32 s15, s24;
	v8 =	vld [tilespmem:s4+$0x0]  }
.Ltmp4:
0x122: {  	s4 =	sor.u32 s15, s28;
	v3 =	vld [tilespmem:s5+$0x0];
	(pc) =	sbr.rel @p1 .LBB2_7-.Ltmp4, $4  }
0x123: {  	s5 =	sor.u32 s15, s31;
	v4 =	vld [tilespmem:s4+$0x0]  }
0x124: {  	s4 =	sor.u32 s15, s29;
	v7 =	vld [tilespmem:s5+$0x0]  }
0x125: {  	v6 =	vld [tilespmem:s4+$0x0]  }
0x126: {  	v5 =	vadd.f32 v8, v5  }
0x127: {  	_ =	sdelay $0x1  }
0x128: {  	v2 =	vadd.f32 v2, v4  }
0x129: {  	s1 =	sor.u32 s15, s13;
	v3 =	vadd.f32 v3, v7;
	v1 =	vadd.f32 v1, v6  }
0x12a: {  	v57 =	vld [tilespmem:s1+$0x0]  }
0x12b: {  	v2 =	vadd.f32 v5, v2;
	v1 =	vadd.f32 v3, v1;
	_ =	sdelay $0x1  }
0x12c: {  	v1 =	vadd.f32 v2, v1;
	_ =	sdelay $0x1  }
0x12d: {  	v1 =	vadd.f32 v1, v57  }
0x12e: {  	s4 =	sor.u32 $0x30, s25  }
0x12f: {  	s21 =	sor.u32 s4, s29;
	[tilespmem:s1+$0x0] =	vst v1  }
0x130: {  	s5 =	sor.u32 s4, s30;
	v1 =	vld [tilespmem:s21+$0x0]  }
0x131: {  	s23 =	sor.u32 s4, s31;
	v2 =	vld [tilespmem:s5+$0x0]  }
0x132: {  	s24 =	sor.u32 s4, s24;
	v3 =	vld [tilespmem:s23+$0x0]  }
0x133: {  	s25 =	sor.u32 s4, s22;
	v58 =	vld [tilespmem:s24+$0x0]  }
0x134: {  	s0 =	sor.u32 s4, s0;
	v59 =	vld [tilespmem:s25+$0x0]  }
0x135: {  	s29 =	sor.u32 s4, s26;
	v60 =	vld [tilespmem:s0+$0x0]  }
0x136: {  	s30 =	sor.u32 s4, s28;
	v61 =	vld [tilespmem:s29+$0x0]  }
0x137: {  	v8 =	vld [tilespmem:s30+$0x0];
	_ =	sdelay $0x3  }
0x138: {  	v1 =	vadd.f32 v2, v1;
	v2 =	vadd.f32 v58, v3  }
0x139: {  	s31 =	sor.u32 s4, s13;
	v3 =	vadd.f32 v60, v8;
	v62 =	vadd.f32 v59, v61  }
0x13a: {  	v63 =	vld [tilespmem:s31+$0x0]  }
0x13b: {  	v1 =	vadd.f32 v2, v1;
	v2 =	vadd.f32 v62, v3;
	_ =	sdelay $0x1  }
.Ltmp5:
0x13c: {  	v1 =	vadd.f32 v2, v1;
	(pc) =	sbr.rel @p0 .LBB2_10-.Ltmp5, $3  }
0x13d: {  	_ = 	snop  }
0x13e: {  	v1 =	vadd.f32 v1, v63;
	_ =	sdelay $0x1  }
0x13f: {  	[tilespmem:s31+$0x0] =	vst v1  }
.Ltmp6:
0x140: {  	(pc) =	sbr.rel .LBB2_4-.Ltmp6, $4  }
0x141: {  	s0 =	sadd.s32 s20, s7  }
0x142: {  	s0 =	sshll.u32 s0, $0xC  }
0x143: {  	s19 =	sadd.s32 $0x1, s19;
	s0 =	sadd.s32 s2, s0  }
0x144: {  	[tilespmem:s10], [sflag:$0x2] =	stream.linear.gather [hbm4b:s0+s3], $0x8000, $0x38;
	[tilespmem:$0x11000] =	vst v63  }
.LBB2_11:
0x145: {  	_ =	sfence.sel $0x180000  }
0x146: {  	[bflag:$0x0] =	sbarrier.arrive $0xFFFF  }
0x147: {  	_ =	strace $0x90000047  }
0x148: {  	s0 =	stileid.u32;
	[bflag:$0x2] =	sbarrier.arrive $0xFFFF  }
0x149: {  	p0 =	sne.s32 s0, $0x0;
	s0 =	rddreg [dreg:$0x2]  }
0x14a: {  	s0 =	sadd.s32 @!p0 $0x100000, s0  }
0x14b: {  	[sflag:s0] =	ssyncadd.tile.s32 @!p0 $0x1;
	_ =	shalt  }
.Lfunc_end2:
_tile_overlayer_lowered:
.L_overlay_start_2:
0x14c: {  	(tag) =	ssettag $0x2  }
0x14d: {  	s0 =	rddreg [dreg:$0x0];
	s2 =	stileid.u32  }
0x14e: {  	s1 =	rddreg [dreg:$0x1];
	p0 =	sne.s32 s2, $0x0  }
0x14f: {  	s3 =	rddreg [dreg:$0x2];
	[bflag:$0x3] =	sbarrier.arrive $0xFFFF;
	s2 =	simm.s32 @!p0 $0x1C03  }
0x150: {  	[timem:s3], [sflag:s2] =	dma.local @!p0 [hbm:s0], s1  }
0x151: {  	s0 =	simm.s32 @!p0 $0x3  }
0x152: {  	_ =	swait.ge @!p0 [sflag:s0], s1  }
0x153: {  	s1 =	ssub.s32 @!p0 $0x0, s1;
	[sflag:s0] =	ssyncset.done @!p0 $0x0  }
0x154: {  	[sflag:s0] =	ssyncadd.s32 @!p0 s1  }
0x155: {  	[bflag:$0x3] =	sbarrier.arrive $0xFFFF  }
0x156: {  	_ =	shalt  }

</sc_bundles>
